<compile_context>
chip_gen: v7x
topology: tpu7x:2x2x1
jax: 0.10.2.dev20260603
libtpu: 0.0.44.dev20260713+nightly
codegen_flags: <defaults>
</compile_context>

<pallas_src>
import functools

import jax
import jax.numpy as jnp
from jax import lax
from jax.experimental import pallas as pl
from jax.experimental.pallas import tpu as pltpu
from jax.experimental.pallas import tpu_sc as plsc

VOCAB_MCC = 100000
VOCAB_TR = 1000
EMB = 128
B, T = 1024, 200
N = B * T

NC, NS = 2, 16
NW = NC * NS
PER_W = N // NW
C = 128
NCH = PER_W // C

_mesh = plsc.VectorSubcoreMesh(core_axis_name="c", subcore_axis_name="s")


@functools.partial(
    pl.kernel,
    out_type=jax.ShapeDtypeStruct((N, 2 * EMB), jnp.float32),
    mesh=_mesh,
    scratch_types=[
        pltpu.VMEM((PER_W,), jnp.int32),
        pltpu.VMEM((PER_W,), jnp.int32),
        [pltpu.VMEM((C, EMB), jnp.float32) for _ in range(3)],
        [pltpu.VMEM((C, EMB), jnp.float32) for _ in range(3)],
        [pltpu.SemaphoreType.DMA for _ in range(3)],
        [pltpu.SemaphoreType.DMA for _ in range(3)],
    ],
)
def _gather_concat(mcc_tab, tr_tab, idx_mcc, idx_tr, out,
                   idxm, idxt, rm, rt, gs, ws):
    wid = lax.axis_index("s") * NC + lax.axis_index("c")
    base = wid * PER_W
    pltpu.sync_copy(idx_mcc.at[pl.ds(base, PER_W)], idxm)
    pltpu.sync_copy(idx_tr.at[pl.ds(base, PER_W)], idxt)

    def g_desc(g, j, sem):
        sl = pl.ds(pl.multiple_of(g * C, C), C)
        return (pltpu.make_async_copy(mcc_tab.at[idxm.at[sl]], rm[j], sem),
                pltpu.make_async_copy(tr_tab.at[idxt.at[sl]], rt[j], sem))

    def w_desc(g, j, sem):
        off = pl.multiple_of(base + g * C, C)
        return (pltpu.make_async_copy(rm[j], out.at[pl.ds(off, C), pl.ds(0, EMB)], sem),
                pltpu.make_async_copy(rt[j], out.at[pl.ds(off, C), pl.ds(EMB, EMB)], sem))

    def fire(descs):
        for d in descs:
            d.start()

    def wait(descs):
        for d in descs:
            d.wait()

    def step(g, j, first=False, fire_next=True):
        wait(g_desc(g, j, gs[j]))
        fire(w_desc(g, j, ws[j]))
        jn = (j + 2) % 3
        if fire_next:
            if not first:
                wait(w_desc(g - 1, jn, ws[jn]))
            fire(g_desc(g + 2, jn, gs[jn]))
        elif not first:
            wait(w_desc(g - 1, jn, ws[jn]))

    fire(g_desc(0, 0, gs[0]))
    fire(g_desc(1, 1, gs[1]))
    step(0, 0, first=True)
    step(1, 1)
    step(2, 2)

    def body(k, carry):
        g = 3 * k + 3
        step(g, 0)
        step(g + 1, 1)
        step(g + 2, 2)
        return carry

    lax.fori_loop(0, (NCH - 6) // 3, body, 0)

    step(NCH - 2, (NCH - 2) % 3, fire_next=False)
    step(NCH - 1, (NCH - 1) % 3, fire_next=False)
    j = (NCH - 1) % 3
    wait(w_desc(NCH - 1, j, ws[j]))


def kernel(mcc_code, tr_type, emb_mcc, emb_tr):
    idx_mcc = jnp.clip(mcc_code.reshape(N), 0, VOCAB_MCC - 1)
    idx_tr = jnp.clip(tr_type.reshape(N), 0, VOCAB_TR - 1)
    out = _gather_concat(emb_mcc, emb_tr, idx_mcc, idx_tr)
    return out.reshape(B, T, 2 * EMB)

# --- scband reference (transcript-rebuilt; emitter-appended) ---
"""Pipeline reference for scband-trx-encoder-base-83279415870104 (READ-ONLY COPY).

The authoritative reference and input builder live on the scoring server;
editing this copy changes nothing except your own understanding.
"""

import jax, jax.numpy as jnp
import numpy as np

VOCAB_MCC = 100000
VOCAB_TR = 1000
EMB_DIM = 128
B, T = 1024, 200


def setup_inputs(seed: int = 0) -> dict:
    key = jax.random.key(seed)
    k1, k2, k3, k4 = jax.random.split(key, 4)
    mcc_code = jax.random.randint(k1, (B, T), 0, VOCAB_MCC, dtype=jnp.int64 if jax.config.jax_enable_x64 else jnp.int32).astype(jnp.int32)
    tr_type = jax.random.randint(k2, (B, T), 0, VOCAB_TR, dtype=jnp.int32)
    emb_mcc = jax.random.normal(k3, (VOCAB_MCC, EMB_DIM), dtype=jnp.float32)
    emb_tr = jax.random.normal(k4, (VOCAB_TR, EMB_DIM), dtype=jnp.float32)
    # padding_idx=0 rows are zero, matching torch.nn.Embedding(padding_idx=0)
    emb_mcc = emb_mcc.at[0].set(0.0)
    emb_tr = emb_tr.at[0].set(0.0)
    return {"mcc_code": mcc_code, "tr_type": tr_type, "emb_mcc": emb_mcc, "emb_tr": emb_tr}


def reference(mcc_code, tr_type, emb_mcc, emb_tr):
    # TrxEncoderBase.get_category_indexes with out_of_index='clip'
    idx_mcc = jnp.clip(mcc_code, 0, emb_mcc.shape[0] - 1)
    idx_tr = jnp.clip(tr_type, 0, emb_tr.shape[0] - 1)
    # get_category_embeddings: lookup per categorical field
    e_mcc = jnp.take(emb_mcc, idx_mcc, axis=0)  # (B, T, 128)
    e_tr = jnp.take(emb_tr, idx_tr, axis=0)     # (B, T, 128)
    # Concatenation of per-field embeddings (embedding_size = sum of out dims)
    out = jnp.concatenate([e_mcc, e_tr], axis=-1)  # (B, T, 256)
    return out

if __name__ == "__main__":
    import jax
    _d = setup_inputs()
    print(jax.jit(kernel)(*tuple(_d.values())))

</pallas_src>

<mosaic_0001>
#map = affine_map<(d0, d1) -> (0, 0)>
#map1 = affine_map<(d0, d1) -> (0)>
module attributes {stable_mosaic.version = 14 : i64} {
  func.func @_gather_concat(%arg0: i32, %arg1: i32, %arg2: memref<100000x128xf32, #tpu.memory_space<hbm>>, %arg3: memref<1000x128xf32, #tpu.memory_space<hbm>>, %arg4: memref<204800xi32, #tpu.memory_space<hbm>>, %arg5: memref<204800xi32, #tpu.memory_space<hbm>>, %arg6: memref<204800x256xf32, #tpu.memory_space<hbm>>, %arg7: memref<6400xi32, #tpu.memory_space<vmem>>, %arg8: memref<6400xi32, #tpu.memory_space<vmem>>, %arg9: memref<128x128xf32, #tpu.memory_space<vmem>>, %arg10: memref<128x128xf32, #tpu.memory_space<vmem>>, %arg11: memref<128x128xf32, #tpu.memory_space<vmem>>, %arg12: memref<128x128xf32, #tpu.memory_space<vmem>>, %arg13: memref<128x128xf32, #tpu.memory_space<vmem>>, %arg14: memref<128x128xf32, #tpu.memory_space<vmem>>, %arg15: memref<!tpu.dma_semaphore, #tpu.memory_space<semaphore_mem>>, %arg16: memref<!tpu.dma_semaphore, #tpu.memory_space<semaphore_mem>>, %arg17: memref<!tpu.dma_semaphore, #tpu.memory_space<semaphore_mem>>, %arg18: memref<!tpu.dma_semaphore, #tpu.memory_space<semaphore_mem>>, %arg19: memref<!tpu.dma_semaphore, #tpu.memory_space<semaphore_mem>>, %arg20: memref<!tpu.dma_semaphore, #tpu.memory_space<semaphore_mem>>) attributes {dimension_semantics = [#tpu.dimension_semantics<core_parallel>, #tpu.dimension_semantics<subcore_parallel>], iteration_bounds = array<i64: 2, 16>, scalar_prefetch = 0 : i64, scratch_operands = 14 : i64, tpu.core_type = #tpu.core_type<sc_vector_subcore>, window_params = [{transform_indices = #map}, {transform_indices = #map}, {transform_indices = #map1}, {transform_indices = #map1}, {transform_indices = #map}]} {
    %mul3A = arith.constant 2 : i32
    %mul3A_0 = arith.muli %arg1, %mul3A : i32
    %add3A = arith.addi %mul3A_0, %arg0 : i32
    %mul3A_1 = arith.constant 6400 : i32
    %mul3A_2 = arith.muli %add3A, %mul3A_1 : i32
    "tpu.region"() ({
      %run_scoped3A = tpu.sem_alloc : memref<!tpu.dma_semaphore, #tpu.memory_space<semaphore_mem>>
      %dma_start3A_215 = tpu.memref_slice %arg4[%mul3A_2] : memref<204800xi32, #tpu.memory_space<hbm>> -> memref<6400xi32, #tpu.memory_space<hbm>>
      %dma_start3A_216 = tpu.memref_slice %arg4[%mul3A_2] : memref<204800xi32, #tpu.memory_space<hbm>> -> memref<6400xi32, #tpu.memory_space<hbm>>
      tpu.enqueue_dma source(%dma_start3A_216 : memref<6400xi32, #tpu.memory_space<hbm>>) target(%arg7 : memref<6400xi32, #tpu.memory_space<vmem>>) target_semaphore(%run_scoped3A : memref<!tpu.dma_semaphore, #tpu.memory_space<semaphore_mem>>)
      %dma_wait3A_217 = tpu.memref_slice %arg4[%mul3A_2] : memref<204800xi32, #tpu.memory_space<hbm>> -> memref<6400xi32, #tpu.memory_space<hbm>>
      %dma_wait3A_218 = tpu.memref_slice %arg4[%mul3A_2] : memref<204800xi32, #tpu.memory_space<hbm>> -> memref<6400xi32, #tpu.memory_space<hbm>>
      tpu.wait_dma2 semaphore(%run_scoped3A : memref<!tpu.dma_semaphore, #tpu.memory_space<semaphore_mem>>) src(%dma_wait3A_218 : memref<6400xi32, #tpu.memory_space<hbm>>) dst(%arg7 : memref<6400xi32, #tpu.memory_space<vmem>>)
      tpu.yield
    }) : () -> ()
    "tpu.region"() ({
      %run_scoped3A = tpu.sem_alloc : memref<!tpu.dma_semaphore, #tpu.memory_space<semaphore_mem>>
      %dma_start3A_215 = tpu.memref_slice %arg5[%mul3A_2] : memref<204800xi32, #tpu.memory_space<hbm>> -> memref<6400xi32, #tpu.memory_space<hbm>>
      %dma_start3A_216 = tpu.memref_slice %arg5[%mul3A_2] : memref<204800xi32, #tpu.memory_space<hbm>> -> memref<6400xi32, #tpu.memory_space<hbm>>
      tpu.enqueue_dma source(%dma_start3A_216 : memref<6400xi32, #tpu.memory_space<hbm>>) target(%arg8 : memref<6400xi32, #tpu.memory_space<vmem>>) target_semaphore(%run_scoped3A : memref<!tpu.dma_semaphore, #tpu.memory_space<semaphore_mem>>)
      %dma_wait3A_217 = tpu.memref_slice %arg5[%mul3A_2] : memref<204800xi32, #tpu.memory_space<hbm>> -> memref<6400xi32, #tpu.memory_space<hbm>>
      %dma_wait3A_218 = tpu.memref_slice %arg5[%mul3A_2] : memref<204800xi32, #tpu.memory_space<hbm>> -> memref<6400xi32, #tpu.memory_space<hbm>>
      tpu.wait_dma2 semaphore(%run_scoped3A : memref<!tpu.dma_semaphore, #tpu.memory_space<semaphore_mem>>) src(%dma_wait3A_218 : memref<6400xi32, #tpu.memory_space<hbm>>) dst(%arg8 : memref<6400xi32, #tpu.memory_space<vmem>>)
      tpu.yield
    }) : () -> ()
    %multiple_of3A = arith.constant 0 : i32
    %multiple_of3A_3 = tpu.assume_multiple %multiple_of3A, 128 : i32
    %dma_start3A = tpu.memref_slice %arg7[%multiple_of3A_3] : memref<6400xi32, #tpu.memory_space<vmem>> -> memref<128xi32, #tpu.memory_space<vmem>>
    %dma_start3A_4 = arith.constant 0 : i32
    %dma_start3A_5 = arith.constant 0 : i32
    %dma_start3A_6 = tpu.memref_slice %arg2[%dma_start3A_4, %dma_start3A_5] : memref<100000x128xf32, #tpu.memory_space<hbm>> -> memref<100000x128xf32, #tpu.memory_space<hbm>>
    tpu.enqueue_indirect_dma source(%dma_start3A_6 : memref<100000x128xf32, #tpu.memory_space<hbm>>) target(%arg9 : memref<128x128xf32, #tpu.memory_space<vmem>>) offsets(%dma_start3A : memref<128xi32, #tpu.memory_space<vmem>>) semaphore(%arg15 : memref<!tpu.dma_semaphore, #tpu.memory_space<semaphore_mem>>)
    %dma_start3A_7 = tpu.memref_slice %arg8[%multiple_of3A_3] : memref<6400xi32, #tpu.memory_space<vmem>> -> memref<128xi32, #tpu.memory_space<vmem>>
    %dma_start3A_8 = arith.constant 0 : i32
    %dma_start3A_9 = arith.constant 0 : i32
    %dma_start3A_10 = tpu.memref_slice %arg3[%dma_start3A_8, %dma_start3A_9] : memref<1000x128xf32, #tpu.memory_space<hbm>> -> memref<1000x128xf32, #tpu.memory_space<hbm>>
    tpu.enqueue_indirect_dma source(%dma_start3A_10 : memref<1000x128xf32, #tpu.memory_space<hbm>>) target(%arg12 : memref<128x128xf32, #tpu.memory_space<vmem>>) offsets(%dma_start3A_7 : memref<128xi32, #tpu.memory_space<vmem>>) semaphore(%arg15 : memref<!tpu.dma_semaphore, #tpu.memory_space<semaphore_mem>>)
    %multiple_of3A_11 = arith.constant 128 : i32
    %multiple_of3A_12 = tpu.assume_multiple %multiple_of3A_11, 128 : i32
    %dma_start3A_13 = tpu.memref_slice %arg7[%multiple_of3A_12] : memref<6400xi32, #tpu.memory_space<vmem>> -> memref<128xi32, #tpu.memory_space<vmem>>
    %dma_start3A_14 = arith.constant 0 : i32
    %dma_start3A_15 = arith.constant 0 : i32
    %dma_start3A_16 = tpu.memref_slice %arg2[%dma_start3A_14, %dma_start3A_15] : memref<100000x128xf32, #tpu.memory_space<hbm>> -> memref<100000x128xf32, #tpu.memory_space<hbm>>
    tpu.enqueue_indirect_dma source(%dma_start3A_16 : memref<100000x128xf32, #tpu.memory_space<hbm>>) target(%arg10 : memref<128x128xf32, #tpu.memory_space<vmem>>) offsets(%dma_start3A_13 : memref<128xi32, #tpu.memory_space<vmem>>) semaphore(%arg16 : memref<!tpu.dma_semaphore, #tpu.memory_space<semaphore_mem>>)
    %dma_start3A_17 = tpu.memref_slice %arg8[%multiple_of3A_12] : memref<6400xi32, #tpu.memory_space<vmem>> -> memref<128xi32, #tpu.memory_space<vmem>>
    %dma_start3A_18 = arith.constant 0 : i32
    %dma_start3A_19 = arith.constant 0 : i32
    %dma_start3A_20 = tpu.memref_slice %arg3[%dma_start3A_18, %dma_start3A_19] : memref<1000x128xf32, #tpu.memory_space<hbm>> -> memref<1000x128xf32, #tpu.memory_space<hbm>>
    tpu.enqueue_indirect_dma source(%dma_start3A_20 : memref<1000x128xf32, #tpu.memory_space<hbm>>) target(%arg13 : memref<128x128xf32, #tpu.memory_space<vmem>>) offsets(%dma_start3A_17 : memref<128xi32, #tpu.memory_space<vmem>>) semaphore(%arg16 : memref<!tpu.dma_semaphore, #tpu.memory_space<semaphore_mem>>)
    %multiple_of3A_21 = arith.constant 0 : i32
    %multiple_of3A_22 = tpu.assume_multiple %multiple_of3A_21, 128 : i32
    %dma_wait3A = tpu.memref_slice %arg7[%multiple_of3A_22] : memref<6400xi32, #tpu.memory_space<vmem>> -> memref<128xi32, #tpu.memory_space<vmem>>
    %dma_wait3A_23 = arith.constant 0 : i32
    %dma_wait3A_24 = arith.constant 0 : i32
    %dma_wait3A_25 = tpu.memref_slice %arg2[%dma_wait3A_23, %dma_wait3A_24] : memref<100000x128xf32, #tpu.memory_space<hbm>> -> memref<100000x128xf32, #tpu.memory_space<hbm>>
    tpu.wait_indirect_dma semaphore(%arg15 : memref<!tpu.dma_semaphore, #tpu.memory_space<semaphore_mem>>) src(%dma_wait3A_25 : memref<100000x128xf32, #tpu.memory_space<hbm>>) dst(%arg9 : memref<128x128xf32, #tpu.memory_space<vmem>>)
    %dma_wait3A_26 = tpu.memref_slice %arg8[%multiple_of3A_22] : memref<6400xi32, #tpu.memory_space<vmem>> -> memref<128xi32, #tpu.memory_space<vmem>>
    %dma_wait3A_27 = arith.constant 0 : i32
    %dma_wait3A_28 = arith.constant 0 : i32
    %dma_wait3A_29 = tpu.memref_slice %arg3[%dma_wait3A_27, %dma_wait3A_28] : memref<1000x128xf32, #tpu.memory_space<hbm>> -> memref<1000x128xf32, #tpu.memory_space<hbm>>
    tpu.wait_indirect_dma semaphore(%arg15 : memref<!tpu.dma_semaphore, #tpu.memory_space<semaphore_mem>>) src(%dma_wait3A_29 : memref<1000x128xf32, #tpu.memory_space<hbm>>) dst(%arg12 : memref<128x128xf32, #tpu.memory_space<vmem>>)
    %add3A_30 = arith.constant 0 : i32
    %add3A_31 = arith.addi %mul3A_2, %add3A_30 : i32
    %multiple_of3A_32 = tpu.assume_multiple %add3A_31, 128 : i32
    %dma_start3A_33 = arith.constant 0 : i32
    %dma_start3A_34 = tpu.memref_slice %arg6[%multiple_of3A_32, %dma_start3A_33] : memref<204800x256xf32, #tpu.memory_space<hbm>> -> memref<128x128xf32, #tpu.memory_space<hbm>>
    %dma_start3A_35 = arith.constant 0 : i32
    %dma_start3A_36 = tpu.memref_slice %arg6[%multiple_of3A_32, %dma_start3A_35] : memref<204800x256xf32, #tpu.memory_space<hbm>> -> memref<128x128xf32, #tpu.memory_space<hbm>>
    tpu.enqueue_dma source(%arg9 : memref<128x128xf32, #tpu.memory_space<vmem>>) target(%dma_start3A_36 : memref<128x128xf32, #tpu.memory_space<hbm>>) target_semaphore(%arg18 : memref<!tpu.dma_semaphore, #tpu.memory_space<semaphore_mem>>)
    %dma_start3A_37 = arith.constant 128 : i32
    %dma_start3A_38 = tpu.memref_slice %arg6[%multiple_of3A_32, %dma_start3A_37] : memref<204800x256xf32, #tpu.memory_space<hbm>> -> memref<128x128xf32, #tpu.memory_space<hbm>>
    %dma_start3A_39 = arith.constant 128 : i32
    %dma_start3A_40 = tpu.memref_slice %arg6[%multiple_of3A_32, %dma_start3A_39] : memref<204800x256xf32, #tpu.memory_space<hbm>> -> memref<128x128xf32, #tpu.memory_space<hbm>>
    tpu.enqueue_dma source(%arg12 : memref<128x128xf32, #tpu.memory_space<vmem>>) target(%dma_start3A_40 : memref<128x128xf32, #tpu.memory_space<hbm>>) target_semaphore(%arg18 : memref<!tpu.dma_semaphore, #tpu.memory_space<semaphore_mem>>)
    %multiple_of3A_41 = arith.constant 256 : i32
    %multiple_of3A_42 = tpu.assume_multiple %multiple_of3A_41, 128 : i32
    %dma_start3A_43 = tpu.memref_slice %arg7[%multiple_of3A_42] : memref<6400xi32, #tpu.memory_space<vmem>> -> memref<128xi32, #tpu.memory_space<vmem>>
    %dma_start3A_44 = arith.constant 0 : i32
    %dma_start3A_45 = arith.constant 0 : i32
    %dma_start3A_46 = tpu.memref_slice %arg2[%dma_start3A_44, %dma_start3A_45] : memref<100000x128xf32, #tpu.memory_space<hbm>> -> memref<100000x128xf32, #tpu.memory_space<hbm>>
    tpu.enqueue_indirect_dma source(%dma_start3A_46 : memref<100000x128xf32, #tpu.memory_space<hbm>>) target(%arg11 : memref<128x128xf32, #tpu.memory_space<vmem>>) offsets(%dma_start3A_43 : memref<128xi32, #tpu.memory_space<vmem>>) semaphore(%arg17 : memref<!tpu.dma_semaphore, #tpu.memory_space<semaphore_mem>>)
    %dma_start3A_47 = tpu.memref_slice %arg8[%multiple_of3A_42] : memref<6400xi32, #tpu.memory_space<vmem>> -> memref<128xi32, #tpu.memory_space<vmem>>
    %dma_start3A_48 = arith.constant 0 : i32
    %dma_start3A_49 = arith.constant 0 : i32
    %dma_start3A_50 = tpu.memref_slice %arg3[%dma_start3A_48, %dma_start3A_49] : memref<1000x128xf32, #tpu.memory_space<hbm>> -> memref<1000x128xf32, #tpu.memory_space<hbm>>
    tpu.enqueue_indirect_dma source(%dma_start3A_50 : memref<1000x128xf32, #tpu.memory_space<hbm>>) target(%arg14 : memref<128x128xf32, #tpu.memory_space<vmem>>) offsets(%dma_start3A_47 : memref<128xi32, #tpu.memory_space<vmem>>) semaphore(%arg17 : memref<!tpu.dma_semaphore, #tpu.memory_space<semaphore_mem>>)
    %multiple_of3A_51 = arith.constant 128 : i32
    %multiple_of3A_52 = tpu.assume_multiple %multiple_of3A_51, 128 : i32
    %dma_wait3A_53 = tpu.memref_slice %arg7[%multiple_of3A_52] : memref<6400xi32, #tpu.memory_space<vmem>> -> memref<128xi32, #tpu.memory_space<vmem>>
    %dma_wait3A_54 = arith.constant 0 : i32
    %dma_wait3A_55 = arith.constant 0 : i32
    %dma_wait3A_56 = tpu.memref_slice %arg2[%dma_wait3A_54, %dma_wait3A_55] : memref<100000x128xf32, #tpu.memory_space<hbm>> -> memref<100000x128xf32, #tpu.memory_space<hbm>>
    tpu.wait_indirect_dma semaphore(%arg16 : memref<!tpu.dma_semaphore, #tpu.memory_space<semaphore_mem>>) src(%dma_wait3A_56 : memref<100000x128xf32, #tpu.memory_space<hbm>>) dst(%arg10 : memref<128x128xf32, #tpu.memory_space<vmem>>)
    %dma_wait3A_57 = tpu.memref_slice %arg8[%multiple_of3A_52] : memref<6400xi32, #tpu.memory_space<vmem>> -> memref<128xi32, #tpu.memory_space<vmem>>
    %dma_wait3A_58 = arith.constant 0 : i32
    %dma_wait3A_59 = arith.constant 0 : i32
    %dma_wait3A_60 = tpu.memref_slice %arg3[%dma_wait3A_58, %dma_wait3A_59] : memref<1000x128xf32, #tpu.memory_space<hbm>> -> memref<1000x128xf32, #tpu.memory_space<hbm>>
    tpu.wait_indirect_dma semaphore(%arg16 : memref<!tpu.dma_semaphore, #tpu.memory_space<semaphore_mem>>) src(%dma_wait3A_60 : memref<1000x128xf32, #tpu.memory_space<hbm>>) dst(%arg13 : memref<128x128xf32, #tpu.memory_space<vmem>>)
    %add3A_61 = arith.constant 128 : i32
    %add3A_62 = arith.addi %mul3A_2, %add3A_61 : i32
    %multiple_of3A_63 = tpu.assume_multiple %add3A_62, 128 : i32
    %dma_start3A_64 = arith.constant 0 : i32
    %dma_start3A_65 = tpu.memref_slice %arg6[%multiple_of3A_63, %dma_start3A_64] : memref<204800x256xf32, #tpu.memory_space<hbm>> -> memref<128x128xf32, #tpu.memory_space<hbm>>
    %dma_start3A_66 = arith.constant 0 : i32
    %dma_start3A_67 = tpu.memref_slice %arg6[%multiple_of3A_63, %dma_start3A_66] : memref<204800x256xf32, #tpu.memory_space<hbm>> -> memref<128x128xf32, #tpu.memory_space<hbm>>
    tpu.enqueue_dma source(%arg10 : memref<128x128xf32, #tpu.memory_space<vmem>>) target(%dma_start3A_67 : memref<128x128xf32, #tpu.memory_space<hbm>>) target_semaphore(%arg19 : memref<!tpu.dma_semaphore, #tpu.memory_space<semaphore_mem>>)
    %dma_start3A_68 = arith.constant 128 : i32
    %dma_start3A_69 = tpu.memref_slice %arg6[%multiple_of3A_63, %dma_start3A_68] : memref<204800x256xf32, #tpu.memory_space<hbm>> -> memref<128x128xf32, #tpu.memory_space<hbm>>
    %dma_start3A_70 = arith.constant 128 : i32
    %dma_start3A_71 = tpu.memref_slice %arg6[%multiple_of3A_63, %dma_start3A_70] : memref<204800x256xf32, #tpu.memory_space<hbm>> -> memref<128x128xf32, #tpu.memory_space<hbm>>
    tpu.enqueue_dma source(%arg13 : memref<128x128xf32, #tpu.memory_space<vmem>>) target(%dma_start3A_71 : memref<128x128xf32, #tpu.memory_space<hbm>>) target_semaphore(%arg19 : memref<!tpu.dma_semaphore, #tpu.memory_space<semaphore_mem>>)
    %add3A_72 = arith.constant 0 : i32
    %add3A_73 = arith.addi %mul3A_2, %add3A_72 : i32
    %multiple_of3A_74 = tpu.assume_multiple %add3A_73, 128 : i32
    %dma_wait3A_75 = arith.constant 0 : i32
    %dma_wait3A_76 = tpu.memref_slice %arg6[%multiple_of3A_74, %dma_wait3A_75] : memref<204800x256xf32, #tpu.memory_space<hbm>> -> memref<128x128xf32, #tpu.memory_space<hbm>>
    %dma_wait3A_77 = arith.constant 0 : i32
    %dma_wait3A_78 = tpu.memref_slice %arg6[%multiple_of3A_74, %dma_wait3A_77] : memref<204800x256xf32, #tpu.memory_space<hbm>> -> memref<128x128xf32, #tpu.memory_space<hbm>>
    tpu.wait_dma2 semaphore(%arg18 : memref<!tpu.dma_semaphore, #tpu.memory_space<semaphore_mem>>) src(%arg9 : memref<128x128xf32, #tpu.memory_space<vmem>>) dst(%dma_wait3A_78 : memref<128x128xf32, #tpu.memory_space<hbm>>)
    %dma_wait3A_79 = arith.constant 128 : i32
    %dma_wait3A_80 = tpu.memref_slice %arg6[%multiple_of3A_74, %dma_wait3A_79] : memref<204800x256xf32, #tpu.memory_space<hbm>> -> memref<128x128xf32, #tpu.memory_space<hbm>>
    %dma_wait3A_81 = arith.constant 128 : i32
    %dma_wait3A_82 = tpu.memref_slice %arg6[%multiple_of3A_74, %dma_wait3A_81] : memref<204800x256xf32, #tpu.memory_space<hbm>> -> memref<128x128xf32, #tpu.memory_space<hbm>>
    tpu.wait_dma2 semaphore(%arg18 : memref<!tpu.dma_semaphore, #tpu.memory_space<semaphore_mem>>) src(%arg12 : memref<128x128xf32, #tpu.memory_space<vmem>>) dst(%dma_wait3A_82 : memref<128x128xf32, #tpu.memory_space<hbm>>)
    %multiple_of3A_83 = arith.constant 384 : i32
    %multiple_of3A_84 = tpu.assume_multiple %multiple_of3A_83, 128 : i32
    %dma_start3A_85 = tpu.memref_slice %arg7[%multiple_of3A_84] : memref<6400xi32, #tpu.memory_space<vmem>> -> memref<128xi32, #tpu.memory_space<vmem>>
    %dma_start3A_86 = arith.constant 0 : i32
    %dma_start3A_87 = arith.constant 0 : i32
    %dma_start3A_88 = tpu.memref_slice %arg2[%dma_start3A_86, %dma_start3A_87] : memref<100000x128xf32, #tpu.memory_space<hbm>> -> memref<100000x128xf32, #tpu.memory_space<hbm>>
    tpu.enqueue_indirect_dma source(%dma_start3A_88 : memref<100000x128xf32, #tpu.memory_space<hbm>>) target(%arg9 : memref<128x128xf32, #tpu.memory_space<vmem>>) offsets(%dma_start3A_85 : memref<128xi32, #tpu.memory_space<vmem>>) semaphore(%arg15 : memref<!tpu.dma_semaphore, #tpu.memory_space<semaphore_mem>>)
    %dma_start3A_89 = tpu.memref_slice %arg8[%multiple_of3A_84] : memref<6400xi32, #tpu.memory_space<vmem>> -> memref<128xi32, #tpu.memory_space<vmem>>
    %dma_start3A_90 = arith.constant 0 : i32
    %dma_start3A_91 = arith.constant 0 : i32
    %dma_start3A_92 = tpu.memref_slice %arg3[%dma_start3A_90, %dma_start3A_91] : memref<1000x128xf32, #tpu.memory_space<hbm>> -> memref<1000x128xf32, #tpu.memory_space<hbm>>
    tpu.enqueue_indirect_dma source(%dma_start3A_92 : memref<1000x128xf32, #tpu.memory_space<hbm>>) target(%arg12 : memref<128x128xf32, #tpu.memory_space<vmem>>) offsets(%dma_start3A_89 : memref<128xi32, #tpu.memory_space<vmem>>) semaphore(%arg15 : memref<!tpu.dma_semaphore, #tpu.memory_space<semaphore_mem>>)
    %multiple_of3A_93 = arith.constant 256 : i32
    %multiple_of3A_94 = tpu.assume_multiple %multiple_of3A_93, 128 : i32
    %dma_wait3A_95 = tpu.memref_slice %arg7[%multiple_of3A_94] : memref<6400xi32, #tpu.memory_space<vmem>> -> memref<128xi32, #tpu.memory_space<vmem>>
    %dma_wait3A_96 = arith.constant 0 : i32
    %dma_wait3A_97 = arith.constant 0 : i32
    %dma_wait3A_98 = tpu.memref_slice %arg2[%dma_wait3A_96, %dma_wait3A_97] : memref<100000x128xf32, #tpu.memory_space<hbm>> -> memref<100000x128xf32, #tpu.memory_space<hbm>>
    tpu.wait_indirect_dma semaphore(%arg17 : memref<!tpu.dma_semaphore, #tpu.memory_space<semaphore_mem>>) src(%dma_wait3A_98 : memref<100000x128xf32, #tpu.memory_space<hbm>>) dst(%arg11 : memref<128x128xf32, #tpu.memory_space<vmem>>)
    %dma_wait3A_99 = tpu.memref_slice %arg8[%multiple_of3A_94] : memref<6400xi32, #tpu.memory_space<vmem>> -> memref<128xi32, #tpu.memory_space<vmem>>
    %dma_wait3A_100 = arith.constant 0 : i32
    %dma_wait3A_101 = arith.constant 0 : i32
    %dma_wait3A_102 = tpu.memref_slice %arg3[%dma_wait3A_100, %dma_wait3A_101] : memref<1000x128xf32, #tpu.memory_space<hbm>> -> memref<1000x128xf32, #tpu.memory_space<hbm>>
    tpu.wait_indirect_dma semaphore(%arg17 : memref<!tpu.dma_semaphore, #tpu.memory_space<semaphore_mem>>) src(%dma_wait3A_102 : memref<1000x128xf32, #tpu.memory_space<hbm>>) dst(%arg14 : memref<128x128xf32, #tpu.memory_space<vmem>>)
    %add3A_103 = arith.constant 256 : i32
    %add3A_104 = arith.addi %mul3A_2, %add3A_103 : i32
    %multiple_of3A_105 = tpu.assume_multiple %add3A_104, 128 : i32
    %dma_start3A_106 = arith.constant 0 : i32
    %dma_start3A_107 = tpu.memref_slice %arg6[%multiple_of3A_105, %dma_start3A_106] : memref<204800x256xf32, #tpu.memory_space<hbm>> -> memref<128x128xf32, #tpu.memory_space<hbm>>
    %dma_start3A_108 = arith.constant 0 : i32
    %dma_start3A_109 = tpu.memref_slice %arg6[%multiple_of3A_105, %dma_start3A_108] : memref<204800x256xf32, #tpu.memory_space<hbm>> -> memref<128x128xf32, #tpu.memory_space<hbm>>
    tpu.enqueue_dma source(%arg11 : memref<128x128xf32, #tpu.memory_space<vmem>>) target(%dma_start3A_109 : memref<128x128xf32, #tpu.memory_space<hbm>>) target_semaphore(%arg20 : memref<!tpu.dma_semaphore, #tpu.memory_space<semaphore_mem>>)
    %dma_start3A_110 = arith.constant 128 : i32
    %dma_start3A_111 = tpu.memref_slice %arg6[%multiple_of3A_105, %dma_start3A_110] : memref<204800x256xf32, #tpu.memory_space<hbm>> -> memref<128x128xf32, #tpu.memory_space<hbm>>
    %dma_start3A_112 = arith.constant 128 : i32
    %dma_start3A_113 = tpu.memref_slice %arg6[%multiple_of3A_105, %dma_start3A_112] : memref<204800x256xf32, #tpu.memory_space<hbm>> -> memref<128x128xf32, #tpu.memory_space<hbm>>
    tpu.enqueue_dma source(%arg14 : memref<128x128xf32, #tpu.memory_space<vmem>>) target(%dma_start3A_113 : memref<128x128xf32, #tpu.memory_space<hbm>>) target_semaphore(%arg20 : memref<!tpu.dma_semaphore, #tpu.memory_space<semaphore_mem>>)
    %add3A_114 = arith.constant 128 : i32
    %add3A_115 = arith.addi %mul3A_2, %add3A_114 : i32
    %multiple_of3A_116 = tpu.assume_multiple %add3A_115, 128 : i32
    %dma_wait3A_117 = arith.constant 0 : i32
    %dma_wait3A_118 = tpu.memref_slice %arg6[%multiple_of3A_116, %dma_wait3A_117] : memref<204800x256xf32, #tpu.memory_space<hbm>> -> memref<128x128xf32, #tpu.memory_space<hbm>>
    %dma_wait3A_119 = arith.constant 0 : i32
    %dma_wait3A_120 = tpu.memref_slice %arg6[%multiple_of3A_116, %dma_wait3A_119] : memref<204800x256xf32, #tpu.memory_space<hbm>> -> memref<128x128xf32, #tpu.memory_space<hbm>>
    tpu.wait_dma2 semaphore(%arg19 : memref<!tpu.dma_semaphore, #tpu.memory_space<semaphore_mem>>) src(%arg10 : memref<128x128xf32, #tpu.memory_space<vmem>>) dst(%dma_wait3A_120 : memref<128x128xf32, #tpu.memory_space<hbm>>)
    %dma_wait3A_121 = arith.constant 128 : i32
    %dma_wait3A_122 = tpu.memref_slice %arg6[%multiple_of3A_116, %dma_wait3A_121] : memref<204800x256xf32, #tpu.memory_space<hbm>> -> memref<128x128xf32, #tpu.memory_space<hbm>>
    %dma_wait3A_123 = arith.constant 128 : i32
    %dma_wait3A_124 = tpu.memref_slice %arg6[%multiple_of3A_116, %dma_wait3A_123] : memref<204800x256xf32, #tpu.memory_space<hbm>> -> memref<128x128xf32, #tpu.memory_space<hbm>>
    tpu.wait_dma2 semaphore(%arg19 : memref<!tpu.dma_semaphore, #tpu.memory_space<semaphore_mem>>) src(%arg13 : memref<128x128xf32, #tpu.memory_space<vmem>>) dst(%dma_wait3A_124 : memref<128x128xf32, #tpu.memory_space<hbm>>)
    %multiple_of3A_125 = arith.constant 512 : i32
    %multiple_of3A_126 = tpu.assume_multiple %multiple_of3A_125, 128 : i32
    %dma_start3A_127 = tpu.memref_slice %arg7[%multiple_of3A_126] : memref<6400xi32, #tpu.memory_space<vmem>> -> memref<128xi32, #tpu.memory_space<vmem>>
    %dma_start3A_128 = arith.constant 0 : i32
    %dma_start3A_129 = arith.constant 0 : i32
    %dma_start3A_130 = tpu.memref_slice %arg2[%dma_start3A_128, %dma_start3A_129] : memref<100000x128xf32, #tpu.memory_space<hbm>> -> memref<100000x128xf32, #tpu.memory_space<hbm>>
    tpu.enqueue_indirect_dma source(%dma_start3A_130 : memref<100000x128xf32, #tpu.memory_space<hbm>>) target(%arg10 : memref<128x128xf32, #tpu.memory_space<vmem>>) offsets(%dma_start3A_127 : memref<128xi32, #tpu.memory_space<vmem>>) semaphore(%arg16 : memref<!tpu.dma_semaphore, #tpu.memory_space<semaphore_mem>>)
    %dma_start3A_131 = tpu.memref_slice %arg8[%multiple_of3A_126] : memref<6400xi32, #tpu.memory_space<vmem>> -> memref<128xi32, #tpu.memory_space<vmem>>
    %dma_start3A_132 = arith.constant 0 : i32
    %dma_start3A_133 = arith.constant 0 : i32
    %dma_start3A_134 = tpu.memref_slice %arg3[%dma_start3A_132, %dma_start3A_133] : memref<1000x128xf32, #tpu.memory_space<hbm>> -> memref<1000x128xf32, #tpu.memory_space<hbm>>
    tpu.enqueue_indirect_dma source(%dma_start3A_134 : memref<1000x128xf32, #tpu.memory_space<hbm>>) target(%arg13 : memref<128x128xf32, #tpu.memory_space<vmem>>) offsets(%dma_start3A_131 : memref<128xi32, #tpu.memory_space<vmem>>) semaphore(%arg16 : memref<!tpu.dma_semaphore, #tpu.memory_space<semaphore_mem>>)
    %scan3A = arith.constant 0 : i32
    %scan3A_135 = arith.constant 0 : i32
    %scan3A_136 = arith.constant 14 : i32
    %scan3A_137 = arith.addi %scan3A_135, %scan3A_136 : i32
    %scan3A_138 = arith.constant 1 : i32
    scf.for %scan3A_215 = %scan3A_135 to %scan3A_137 step %scan3A_138  : i32 {
      %mul3A_216 = arith.constant 3 : i32
      %mul3A_217 = arith.muli %mul3A_216, %scan3A_215 : i32
      %add3A_218 = arith.constant 3 : i32
      %add3A_219 = arith.addi %mul3A_217, %add3A_218 : i32
      %mul3A_220 = arith.constant 128 : i32
      %mul3A_221 = arith.muli %add3A_219, %mul3A_220 : i32
      %multiple_of3A_222 = tpu.assume_multiple %mul3A_221, 128 : i32
      %dma_wait3A_223 = tpu.memref_slice %arg7[%multiple_of3A_222] : memref<6400xi32, #tpu.memory_space<vmem>> -> memref<128xi32, #tpu.memory_space<vmem>>
      %dma_wait3A_224 = arith.constant 0 : i32
      %dma_wait3A_225 = arith.constant 0 : i32
      %dma_wait3A_226 = tpu.memref_slice %arg2[%dma_wait3A_224, %dma_wait3A_225] : memref<100000x128xf32, #tpu.memory_space<hbm>> -> memref<100000x128xf32, #tpu.memory_space<hbm>>
      tpu.wait_indirect_dma semaphore(%arg15 : memref<!tpu.dma_semaphore, #tpu.memory_space<semaphore_mem>>) src(%dma_wait3A_226 : memref<100000x128xf32, #tpu.memory_space<hbm>>) dst(%arg9 : memref<128x128xf32, #tpu.memory_space<vmem>>)
      %dma_wait3A_227 = tpu.memref_slice %arg8[%multiple_of3A_222] : memref<6400xi32, #tpu.memory_space<vmem>> -> memref<128xi32, #tpu.memory_space<vmem>>
      %dma_wait3A_228 = arith.constant 0 : i32
      %dma_wait3A_229 = arith.constant 0 : i32
      %dma_wait3A_230 = tpu.memref_slice %arg3[%dma_wait3A_228, %dma_wait3A_229] : memref<1000x128xf32, #tpu.memory_space<hbm>> -> memref<1000x128xf32, #tpu.memory_space<hbm>>
      tpu.wait_indirect_dma semaphore(%arg15 : memref<!tpu.dma_semaphore, #tpu.memory_space<semaphore_mem>>) src(%dma_wait3A_230 : memref<1000x128xf32, #tpu.memory_space<hbm>>) dst(%arg12 : memref<128x128xf32, #tpu.memory_space<vmem>>)
      %mul3A_231 = arith.constant 128 : i32
      %mul3A_232 = arith.muli %add3A_219, %mul3A_231 : i32
      %add3A_233 = arith.addi %mul3A_2, %mul3A_232 : i32
      %multiple_of3A_234 = tpu.assume_multiple %add3A_233, 128 : i32
      %dma_start3A_235 = arith.constant 0 : i32
      %dma_start3A_236 = tpu.memref_slice %arg6[%multiple_of3A_234, %dma_start3A_235] : memref<204800x256xf32, #tpu.memory_space<hbm>> -> memref<128x128xf32, #tpu.memory_space<hbm>>
      %dma_start3A_237 = arith.constant 0 : i32
      %dma_start3A_238 = tpu.memref_slice %arg6[%multiple_of3A_234, %dma_start3A_237] : memref<204800x256xf32, #tpu.memory_space<hbm>> -> memref<128x128xf32, #tpu.memory_space<hbm>>
      tpu.enqueue_dma source(%arg9 : memref<128x128xf32, #tpu.memory_space<vmem>>) target(%dma_start3A_238 : memref<128x128xf32, #tpu.memory_space<hbm>>) target_semaphore(%arg18 : memref<!tpu.dma_semaphore, #tpu.memory_space<semaphore_mem>>)
      %dma_start3A_239 = arith.constant 128 : i32
      %dma_start3A_240 = tpu.memref_slice %arg6[%multiple_of3A_234, %dma_start3A_239] : memref<204800x256xf32, #tpu.memory_space<hbm>> -> memref<128x128xf32, #tpu.memory_space<hbm>>
      %dma_start3A_241 = arith.constant 128 : i32
      %dma_start3A_242 = tpu.memref_slice %arg6[%multiple_of3A_234, %dma_start3A_241] : memref<204800x256xf32, #tpu.memory_space<hbm>> -> memref<128x128xf32, #tpu.memory_space<hbm>>
      tpu.enqueue_dma source(%arg12 : memref<128x128xf32, #tpu.memory_space<vmem>>) target(%dma_start3A_242 : memref<128x128xf32, #tpu.memory_space<hbm>>) target_semaphore(%arg18 : memref<!tpu.dma_semaphore, #tpu.memory_space<semaphore_mem>>)
      %sub3A = arith.constant 1 : i32
      %sub3A_243 = arith.subi %add3A_219, %sub3A : i32
      %mul3A_244 = arith.constant 128 : i32
      %mul3A_245 = arith.muli %sub3A_243, %mul3A_244 : i32
      %add3A_246 = arith.addi %mul3A_2, %mul3A_245 : i32
      %multiple_of3A_247 = tpu.assume_multiple %add3A_246, 128 : i32
      %dma_wait3A_248 = arith.constant 0 : i32
      %dma_wait3A_249 = tpu.memref_slice %arg6[%multiple_of3A_247, %dma_wait3A_248] : memref<204800x256xf32, #tpu.memory_space<hbm>> -> memref<128x128xf32, #tpu.memory_space<hbm>>
      %dma_wait3A_250 = arith.constant 0 : i32
      %dma_wait3A_251 = tpu.memref_slice %arg6[%multiple_of3A_247, %dma_wait3A_250] : memref<204800x256xf32, #tpu.memory_space<hbm>> -> memref<128x128xf32, #tpu.memory_space<hbm>>
      tpu.wait_dma2 semaphore(%arg20 : memref<!tpu.dma_semaphore, #tpu.memory_space<semaphore_mem>>) src(%arg11 : memref<128x128xf32, #tpu.memory_space<vmem>>) dst(%dma_wait3A_251 : memref<128x128xf32, #tpu.memory_space<hbm>>)
      %dma_wait3A_252 = arith.constant 128 : i32
      %dma_wait3A_253 = tpu.memref_slice %arg6[%multiple_of3A_247, %dma_wait3A_252] : memref<204800x256xf32, #tpu.memory_space<hbm>> -> memref<128x128xf32, #tpu.memory_space<hbm>>
      %dma_wait3A_254 = arith.constant 128 : i32
      %dma_wait3A_255 = tpu.memref_slice %arg6[%multiple_of3A_247, %dma_wait3A_254] : memref<204800x256xf32, #tpu.memory_space<hbm>> -> memref<128x128xf32, #tpu.memory_space<hbm>>
      tpu.wait_dma2 semaphore(%arg20 : memref<!tpu.dma_semaphore, #tpu.memory_space<semaphore_mem>>) src(%arg14 : memref<128x128xf32, #tpu.memory_space<vmem>>) dst(%dma_wait3A_255 : memref<128x128xf32, #tpu.memory_space<hbm>>)
      %add3A_256 = arith.constant 2 : i32
      %add3A_257 = arith.addi %add3A_219, %add3A_256 : i32
      %mul3A_258 = arith.constant 128 : i32
      %mul3A_259 = arith.muli %add3A_257, %mul3A_258 : i32
      %multiple_of3A_260 = tpu.assume_multiple %mul3A_259, 128 : i32
      %dma_start3A_261 = tpu.memref_slice %arg7[%multiple_of3A_260] : memref<6400xi32, #tpu.memory_space<vmem>> -> memref<128xi32, #tpu.memory_space<vmem>>
      %dma_start3A_262 = arith.constant 0 : i32
      %dma_start3A_263 = arith.constant 0 : i32
      %dma_start3A_264 = tpu.memref_slice %arg2[%dma_start3A_262, %dma_start3A_263] : memref<100000x128xf32, #tpu.memory_space<hbm>> -> memref<100000x128xf32, #tpu.memory_space<hbm>>
      tpu.enqueue_indirect_dma source(%dma_start3A_264 : memref<100000x128xf32, #tpu.memory_space<hbm>>) target(%arg11 : memref<128x128xf32, #tpu.memory_space<vmem>>) offsets(%dma_start3A_261 : memref<128xi32, #tpu.memory_space<vmem>>) semaphore(%arg17 : memref<!tpu.dma_semaphore, #tpu.memory_space<semaphore_mem>>)
      %dma_start3A_265 = tpu.memref_slice %arg8[%multiple_of3A_260] : memref<6400xi32, #tpu.memory_space<vmem>> -> memref<128xi32, #tpu.memory_space<vmem>>
      %dma_start3A_266 = arith.constant 0 : i32
      %dma_start3A_267 = arith.constant 0 : i32
      %dma_start3A_268 = tpu.memref_slice %arg3[%dma_start3A_266, %dma_start3A_267] : memref<1000x128xf32, #tpu.memory_space<hbm>> -> memref<1000x128xf32, #tpu.memory_space<hbm>>
      tpu.enqueue_indirect_dma source(%dma_start3A_268 : memref<1000x128xf32, #tpu.memory_space<hbm>>) target(%arg14 : memref<128x128xf32, #tpu.memory_space<vmem>>) offsets(%dma_start3A_265 : memref<128xi32, #tpu.memory_space<vmem>>) semaphore(%arg17 : memref<!tpu.dma_semaphore, #tpu.memory_space<semaphore_mem>>)
      %add3A_269 = arith.constant 1 : i32
      %add3A_270 = arith.addi %add3A_219, %add3A_269 : i32
      %mul3A_271 = arith.constant 128 : i32
      %mul3A_272 = arith.muli %add3A_270, %mul3A_271 : i32
      %multiple_of3A_273 = tpu.assume_multiple %mul3A_272, 128 : i32
      %dma_wait3A_274 = tpu.memref_slice %arg7[%multiple_of3A_273] : memref<6400xi32, #tpu.memory_space<vmem>> -> memref<128xi32, #tpu.memory_space<vmem>>
      %dma_wait3A_275 = arith.constant 0 : i32
      %dma_wait3A_276 = arith.constant 0 : i32
      %dma_wait3A_277 = tpu.memref_slice %arg2[%dma_wait3A_275, %dma_wait3A_276] : memref<100000x128xf32, #tpu.memory_space<hbm>> -> memref<100000x128xf32, #tpu.memory_space<hbm>>
      tpu.wait_indirect_dma semaphore(%arg16 : memref<!tpu.dma_semaphore, #tpu.memory_space<semaphore_mem>>) src(%dma_wait3A_277 : memref<100000x128xf32, #tpu.memory_space<hbm>>) dst(%arg10 : memref<128x128xf32, #tpu.memory_space<vmem>>)
      %dma_wait3A_278 = tpu.memref_slice %arg8[%multiple_of3A_273] : memref<6400xi32, #tpu.memory_space<vmem>> -> memref<128xi32, #tpu.memory_space<vmem>>
      %dma_wait3A_279 = arith.constant 0 : i32
      %dma_wait3A_280 = arith.constant 0 : i32
      %dma_wait3A_281 = tpu.memref_slice %arg3[%dma_wait3A_279, %dma_wait3A_280] : memref<1000x128xf32, #tpu.memory_space<hbm>> -> memref<1000x128xf32, #tpu.memory_space<hbm>>
      tpu.wait_indirect_dma semaphore(%arg16 : memref<!tpu.dma_semaphore, #tpu.memory_space<semaphore_mem>>) src(%dma_wait3A_281 : memref<1000x128xf32, #tpu.memory_space<hbm>>) dst(%arg13 : memref<128x128xf32, #tpu.memory_space<vmem>>)
      %mul3A_282 = arith.constant 128 : i32
      %mul3A_283 = arith.muli %add3A_270, %mul3A_282 : i32
      %add3A_284 = arith.addi %mul3A_2, %mul3A_283 : i32
      %multiple_of3A_285 = tpu.assume_multiple %add3A_284, 128 : i32
      %dma_start3A_286 = arith.constant 0 : i32
      %dma_start3A_287 = tpu.memref_slice %arg6[%multiple_of3A_285, %dma_start3A_286] : memref<204800x256xf32, #tpu.memory_space<hbm>> -> memref<128x128xf32, #tpu.memory_space<hbm>>
      %dma_start3A_288 = arith.constant 0 : i32
      %dma_start3A_289 = tpu.memref_slice %arg6[%multiple_of3A_285, %dma_start3A_288] : memref<204800x256xf32, #tpu.memory_space<hbm>> -> memref<128x128xf32, #tpu.memory_space<hbm>>
      tpu.enqueue_dma source(%arg10 : memref<128x128xf32, #tpu.memory_space<vmem>>) target(%dma_start3A_289 : memref<128x128xf32, #tpu.memory_space<hbm>>) target_semaphore(%arg19 : memref<!tpu.dma_semaphore, #tpu.memory_space<semaphore_mem>>)
      %dma_start3A_290 = arith.constant 128 : i32
      %dma_start3A_291 = tpu.memref_slice %arg6[%multiple_of3A_285, %dma_start3A_290] : memref<204800x256xf32, #tpu.memory_space<hbm>> -> memref<128x128xf32, #tpu.memory_space<hbm>>
      %dma_start3A_292 = arith.constant 128 : i32
      %dma_start3A_293 = tpu.memref_slice %arg6[%multiple_of3A_285, %dma_start3A_292] : memref<204800x256xf32, #tpu.memory_space<hbm>> -> memref<128x128xf32, #tpu.memory_space<hbm>>
      tpu.enqueue_dma source(%arg13 : memref<128x128xf32, #tpu.memory_space<vmem>>) target(%dma_start3A_293 : memref<128x128xf32, #tpu.memory_space<hbm>>) target_semaphore(%arg19 : memref<!tpu.dma_semaphore, #tpu.memory_space<semaphore_mem>>)
      %sub3A_294 = arith.constant 1 : i32
      %sub3A_295 = arith.subi %add3A_270, %sub3A_294 : i32
      %mul3A_296 = arith.constant 128 : i32
      %mul3A_297 = arith.muli %sub3A_295, %mul3A_296 : i32
      %add3A_298 = arith.addi %mul3A_2, %mul3A_297 : i32
      %multiple_of3A_299 = tpu.assume_multiple %add3A_298, 128 : i32
      %dma_wait3A_300 = arith.constant 0 : i32
      %dma_wait3A_301 = tpu.memref_slice %arg6[%multiple_of3A_299, %dma_wait3A_300] : memref<204800x256xf32, #tpu.memory_space<hbm>> -> memref<128x128xf32, #tpu.memory_space<hbm>>
      %dma_wait3A_302 = arith.constant 0 : i32
      %dma_wait3A_303 = tpu.memref_slice %arg6[%multiple_of3A_299, %dma_wait3A_302] : memref<204800x256xf32, #tpu.memory_space<hbm>> -> memref<128x128xf32, #tpu.memory_space<hbm>>
      tpu.wait_dma2 semaphore(%arg18 : memref<!tpu.dma_semaphore, #tpu.memory_space<semaphore_mem>>) src(%arg9 : memref<128x128xf32, #tpu.memory_space<vmem>>) dst(%dma_wait3A_303 : memref<128x128xf32, #tpu.memory_space<hbm>>)
      %dma_wait3A_304 = arith.constant 128 : i32
      %dma_wait3A_305 = tpu.memref_slice %arg6[%multiple_of3A_299, %dma_wait3A_304] : memref<204800x256xf32, #tpu.memory_space<hbm>> -> memref<128x128xf32, #tpu.memory_space<hbm>>
      %dma_wait3A_306 = arith.constant 128 : i32
      %dma_wait3A_307 = tpu.memref_slice %arg6[%multiple_of3A_299, %dma_wait3A_306] : memref<204800x256xf32, #tpu.memory_space<hbm>> -> memref<128x128xf32, #tpu.memory_space<hbm>>
      tpu.wait_dma2 semaphore(%arg18 : memref<!tpu.dma_semaphore, #tpu.memory_space<semaphore_mem>>) src(%arg12 : memref<128x128xf32, #tpu.memory_space<vmem>>) dst(%dma_wait3A_307 : memref<128x128xf32, #tpu.memory_space<hbm>>)
      %add3A_308 = arith.constant 2 : i32
      %add3A_309 = arith.addi %add3A_270, %add3A_308 : i32
      %mul3A_310 = arith.constant 128 : i32
      %mul3A_311 = arith.muli %add3A_309, %mul3A_310 : i32
      %multiple_of3A_312 = tpu.assume_multiple %mul3A_311, 128 : i32
      %dma_start3A_313 = tpu.memref_slice %arg7[%multiple_of3A_312] : memref<6400xi32, #tpu.memory_space<vmem>> -> memref<128xi32, #tpu.memory_space<vmem>>
      %dma_start3A_314 = arith.constant 0 : i32
      %dma_start3A_315 = arith.constant 0 : i32
      %dma_start3A_316 = tpu.memref_slice %arg2[%dma_start3A_314, %dma_start3A_315] : memref<100000x128xf32, #tpu.memory_space<hbm>> -> memref<100000x128xf32, #tpu.memory_space<hbm>>
      tpu.enqueue_indirect_dma source(%dma_start3A_316 : memref<100000x128xf32, #tpu.memory_space<hbm>>) target(%arg9 : memref<128x128xf32, #tpu.memory_space<vmem>>) offsets(%dma_start3A_313 : memref<128xi32, #tpu.memory_space<vmem>>) semaphore(%arg15 : memref<!tpu.dma_semaphore, #tpu.memory_space<semaphore_mem>>)
      %dma_start3A_317 = tpu.memref_slice %arg8[%multiple_of3A_312] : memref<6400xi32, #tpu.memory_space<vmem>> -> memref<128xi32, #tpu.memory_space<vmem>>
      %dma_start3A_318 = arith.constant 0 : i32
      %dma_start3A_319 = arith.constant 0 : i32
      %dma_start3A_320 = tpu.memref_slice %arg3[%dma_start3A_318, %dma_start3A_319] : memref<1000x128xf32, #tpu.memory_space<hbm>> -> memref<1000x128xf32, #tpu.memory_space<hbm>>
      tpu.enqueue_indirect_dma source(%dma_start3A_320 : memref<1000x128xf32, #tpu.memory_space<hbm>>) target(%arg12 : memref<128x128xf32, #tpu.memory_space<vmem>>) offsets(%dma_start3A_317 : memref<128xi32, #tpu.memory_space<vmem>>) semaphore(%arg15 : memref<!tpu.dma_semaphore, #tpu.memory_space<semaphore_mem>>)
      %add3A_321 = arith.constant 2 : i32
      %add3A_322 = arith.addi %add3A_219, %add3A_321 : i32
      %mul3A_323 = arith.constant 128 : i32
      %mul3A_324 = arith.muli %add3A_322, %mul3A_323 : i32
      %multiple_of3A_325 = tpu.assume_multiple %mul3A_324, 128 : i32
      %dma_wait3A_326 = tpu.memref_slice %arg7[%multiple_of3A_325] : memref<6400xi32, #tpu.memory_space<vmem>> -> memref<128xi32, #tpu.memory_space<vmem>>
      %dma_wait3A_327 = arith.constant 0 : i32
      %dma_wait3A_328 = arith.constant 0 : i32
      %dma_wait3A_329 = tpu.memref_slice %arg2[%dma_wait3A_327, %dma_wait3A_328] : memref<100000x128xf32, #tpu.memory_space<hbm>> -> memref<100000x128xf32, #tpu.memory_space<hbm>>
      tpu.wait_indirect_dma semaphore(%arg17 : memref<!tpu.dma_semaphore, #tpu.memory_space<semaphore_mem>>) src(%dma_wait3A_329 : memref<100000x128xf32, #tpu.memory_space<hbm>>) dst(%arg11 : memref<128x128xf32, #tpu.memory_space<vmem>>)
      %dma_wait3A_330 = tpu.memref_slice %arg8[%multiple_of3A_325] : memref<6400xi32, #tpu.memory_space<vmem>> -> memref<128xi32, #tpu.memory_space<vmem>>
      %dma_wait3A_331 = arith.constant 0 : i32
      %dma_wait3A_332 = arith.constant 0 : i32
      %dma_wait3A_333 = tpu.memref_slice %arg3[%dma_wait3A_331, %dma_wait3A_332] : memref<1000x128xf32, #tpu.memory_space<hbm>> -> memref<1000x128xf32, #tpu.memory_space<hbm>>
      tpu.wait_indirect_dma semaphore(%arg17 : memref<!tpu.dma_semaphore, #tpu.memory_space<semaphore_mem>>) src(%dma_wait3A_333 : memref<1000x128xf32, #tpu.memory_space<hbm>>) dst(%arg14 : memref<128x128xf32, #tpu.memory_space<vmem>>)
      %mul3A_334 = arith.constant 128 : i32
      %mul3A_335 = arith.muli %add3A_322, %mul3A_334 : i32
      %add3A_336 = arith.addi %mul3A_2, %mul3A_335 : i32
      %multiple_of3A_337 = tpu.assume_multiple %add3A_336, 128 : i32
      %dma_start3A_338 = arith.constant 0 : i32
      %dma_start3A_339 = tpu.memref_slice %arg6[%multiple_of3A_337, %dma_start3A_338] : memref<204800x256xf32, #tpu.memory_space<hbm>> -> memref<128x128xf32, #tpu.memory_space<hbm>>
      %dma_start3A_340 = arith.constant 0 : i32
      %dma_start3A_341 = tpu.memref_slice %arg6[%multiple_of3A_337, %dma_start3A_340] : memref<204800x256xf32, #tpu.memory_space<hbm>> -> memref<128x128xf32, #tpu.memory_space<hbm>>
      tpu.enqueue_dma source(%arg11 : memref<128x128xf32, #tpu.memory_space<vmem>>) target(%dma_start3A_341 : memref<128x128xf32, #tpu.memory_space<hbm>>) target_semaphore(%arg20 : memref<!tpu.dma_semaphore, #tpu.memory_space<semaphore_mem>>)
      %dma_start3A_342 = arith.constant 128 : i32
      %dma_start3A_343 = tpu.memref_slice %arg6[%multiple_of3A_337, %dma_start3A_342] : memref<204800x256xf32, #tpu.memory_space<hbm>> -> memref<128x128xf32, #tpu.memory_space<hbm>>
      %dma_start3A_344 = arith.constant 128 : i32
      %dma_start3A_345 = tpu.memref_slice %arg6[%multiple_of3A_337, %dma_start3A_344] : memref<204800x256xf32, #tpu.memory_space<hbm>> -> memref<128x128xf32, #tpu.memory_space<hbm>>
      tpu.enqueue_dma source(%arg14 : memref<128x128xf32, #tpu.memory_space<vmem>>) target(%dma_start3A_345 : memref<128x128xf32, #tpu.memory_space<hbm>>) target_semaphore(%arg20 : memref<!tpu.dma_semaphore, #tpu.memory_space<semaphore_mem>>)
      %sub3A_346 = arith.constant 1 : i32
      %sub3A_347 = arith.subi %add3A_322, %sub3A_346 : i32
      %mul3A_348 = arith.constant 128 : i32
      %mul3A_349 = arith.muli %sub3A_347, %mul3A_348 : i32
      %add3A_350 = arith.addi %mul3A_2, %mul3A_349 : i32
      %multiple_of3A_351 = tpu.assume_multiple %add3A_350, 128 : i32
      %dma_wait3A_352 = arith.constant 0 : i32
      %dma_wait3A_353 = tpu.memref_slice %arg6[%multiple_of3A_351, %dma_wait3A_352] : memref<204800x256xf32, #tpu.memory_space<hbm>> -> memref<128x128xf32, #tpu.memory_space<hbm>>
      %dma_wait3A_354 = arith.constant 0 : i32
      %dma_wait3A_355 = tpu.memref_slice %arg6[%multiple_of3A_351, %dma_wait3A_354] : memref<204800x256xf32, #tpu.memory_space<hbm>> -> memref<128x128xf32, #tpu.memory_space<hbm>>
      tpu.wait_dma2 semaphore(%arg19 : memref<!tpu.dma_semaphore, #tpu.memory_space<semaphore_mem>>) src(%arg10 : memref<128x128xf32, #tpu.memory_space<vmem>>) dst(%dma_wait3A_355 : memref<128x128xf32, #tpu.memory_space<hbm>>)
      %dma_wait3A_356 = arith.constant 128 : i32
      %dma_wait3A_357 = tpu.memref_slice %arg6[%multiple_of3A_351, %dma_wait3A_356] : memref<204800x256xf32, #tpu.memory_space<hbm>> -> memref<128x128xf32, #tpu.memory_space<hbm>>
      %dma_wait3A_358 = arith.constant 128 : i32
      %dma_wait3A_359 = tpu.memref_slice %arg6[%multiple_of3A_351, %dma_wait3A_358] : memref<204800x256xf32, #tpu.memory_space<hbm>> -> memref<128x128xf32, #tpu.memory_space<hbm>>
      tpu.wait_dma2 semaphore(%arg19 : memref<!tpu.dma_semaphore, #tpu.memory_space<semaphore_mem>>) src(%arg13 : memref<128x128xf32, #tpu.memory_space<vmem>>) dst(%dma_wait3A_359 : memref<128x128xf32, #tpu.memory_space<hbm>>)
      %add3A_360 = arith.constant 2 : i32
      %add3A_361 = arith.addi %add3A_322, %add3A_360 : i32
      %mul3A_362 = arith.constant 128 : i32
      %mul3A_363 = arith.muli %add3A_361, %mul3A_362 : i32
      %multiple_of3A_364 = tpu.assume_multiple %mul3A_363, 128 : i32
      %dma_start3A_365 = tpu.memref_slice %arg7[%multiple_of3A_364] : memref<6400xi32, #tpu.memory_space<vmem>> -> memref<128xi32, #tpu.memory_space<vmem>>
      %dma_start3A_366 = arith.constant 0 : i32
      %dma_start3A_367 = arith.constant 0 : i32
      %dma_start3A_368 = tpu.memref_slice %arg2[%dma_start3A_366, %dma_start3A_367] : memref<100000x128xf32, #tpu.memory_space<hbm>> -> memref<100000x128xf32, #tpu.memory_space<hbm>>
      tpu.enqueue_indirect_dma source(%dma_start3A_368 : memref<100000x128xf32, #tpu.memory_space<hbm>>) target(%arg10 : memref<128x128xf32, #tpu.memory_space<vmem>>) offsets(%dma_start3A_365 : memref<128xi32, #tpu.memory_space<vmem>>) semaphore(%arg16 : memref<!tpu.dma_semaphore, #tpu.memory_space<semaphore_mem>>)
      %dma_start3A_369 = tpu.memref_slice %arg8[%multiple_of3A_364] : memref<6400xi32, #tpu.memory_space<vmem>> -> memref<128xi32, #tpu.memory_space<vmem>>
      %dma_start3A_370 = arith.constant 0 : i32
      %dma_start3A_371 = arith.constant 0 : i32
      %dma_start3A_372 = tpu.memref_slice %arg3[%dma_start3A_370, %dma_start3A_371] : memref<1000x128xf32, #tpu.memory_space<hbm>> -> memref<1000x128xf32, #tpu.memory_space<hbm>>
      tpu.enqueue_indirect_dma source(%dma_start3A_372 : memref<1000x128xf32, #tpu.memory_space<hbm>>) target(%arg13 : memref<128x128xf32, #tpu.memory_space<vmem>>) offsets(%dma_start3A_369 : memref<128xi32, #tpu.memory_space<vmem>>) semaphore(%arg16 : memref<!tpu.dma_semaphore, #tpu.memory_space<semaphore_mem>>)
    }
    %scan3A_139 = arith.constant 14 : i32
    %multiple_of3A_140 = arith.constant 6144 : i32
    %multiple_of3A_141 = tpu.assume_multiple %multiple_of3A_140, 128 : i32
    %dma_wait3A_142 = tpu.memref_slice %arg7[%multiple_of3A_141] : memref<6400xi32, #tpu.memory_space<vmem>> -> memref<128xi32, #tpu.memory_space<vmem>>
    %dma_wait3A_143 = arith.constant 0 : i32
    %dma_wait3A_144 = arith.constant 0 : i32
    %dma_wait3A_145 = tpu.memref_slice %arg2[%dma_wait3A_143, %dma_wait3A_144] : memref<100000x128xf32, #tpu.memory_space<hbm>> -> memref<100000x128xf32, #tpu.memory_space<hbm>>
    tpu.wait_indirect_dma semaphore(%arg15 : memref<!tpu.dma_semaphore, #tpu.memory_space<semaphore_mem>>) src(%dma_wait3A_145 : memref<100000x128xf32, #tpu.memory_space<hbm>>) dst(%arg9 : memref<128x128xf32, #tpu.memory_space<vmem>>)
    %dma_wait3A_146 = tpu.memref_slice %arg8[%multiple_of3A_141] : memref<6400xi32, #tpu.memory_space<vmem>> -> memref<128xi32, #tpu.memory_space<vmem>>
    %dma_wait3A_147 = arith.constant 0 : i32
    %dma_wait3A_148 = arith.constant 0 : i32
    %dma_wait3A_149 = tpu.memref_slice %arg3[%dma_wait3A_147, %dma_wait3A_148] : memref<1000x128xf32, #tpu.memory_space<hbm>> -> memref<1000x128xf32, #tpu.memory_space<hbm>>
    tpu.wait_indirect_dma semaphore(%arg15 : memref<!tpu.dma_semaphore, #tpu.memory_space<semaphore_mem>>) src(%dma_wait3A_149 : memref<1000x128xf32, #tpu.memory_space<hbm>>) dst(%arg12 : memref<128x128xf32, #tpu.memory_space<vmem>>)
    %add3A_150 = arith.constant 6144 : i32
    %add3A_151 = arith.addi %mul3A_2, %add3A_150 : i32
    %multiple_of3A_152 = tpu.assume_multiple %add3A_151, 128 : i32
    %dma_start3A_153 = arith.constant 0 : i32
    %dma_start3A_154 = tpu.memref_slice %arg6[%multiple_of3A_152, %dma_start3A_153] : memref<204800x256xf32, #tpu.memory_space<hbm>> -> memref<128x128xf32, #tpu.memory_space<hbm>>
    %dma_start3A_155 = arith.constant 0 : i32
    %dma_start3A_156 = tpu.memref_slice %arg6[%multiple_of3A_152, %dma_start3A_155] : memref<204800x256xf32, #tpu.memory_space<hbm>> -> memref<128x128xf32, #tpu.memory_space<hbm>>
    tpu.enqueue_dma source(%arg9 : memref<128x128xf32, #tpu.memory_space<vmem>>) target(%dma_start3A_156 : memref<128x128xf32, #tpu.memory_space<hbm>>) target_semaphore(%arg18 : memref<!tpu.dma_semaphore, #tpu.memory_space<semaphore_mem>>)
    %dma_start3A_157 = arith.constant 128 : i32
    %dma_start3A_158 = tpu.memref_slice %arg6[%multiple_of3A_152, %dma_start3A_157] : memref<204800x256xf32, #tpu.memory_space<hbm>> -> memref<128x128xf32, #tpu.memory_space<hbm>>
    %dma_start3A_159 = arith.constant 128 : i32
    %dma_start3A_160 = tpu.memref_slice %arg6[%multiple_of3A_152, %dma_start3A_159] : memref<204800x256xf32, #tpu.memory_space<hbm>> -> memref<128x128xf32, #tpu.memory_space<hbm>>
    tpu.enqueue_dma source(%arg12 : memref<128x128xf32, #tpu.memory_space<vmem>>) target(%dma_start3A_160 : memref<128x128xf32, #tpu.memory_space<hbm>>) target_semaphore(%arg18 : memref<!tpu.dma_semaphore, #tpu.memory_space<semaphore_mem>>)
    %add3A_161 = arith.constant 6016 : i32
    %add3A_162 = arith.addi %mul3A_2, %add3A_161 : i32
    %multiple_of3A_163 = tpu.assume_multiple %add3A_162, 128 : i32
    %dma_wait3A_164 = arith.constant 0 : i32
    %dma_wait3A_165 = tpu.memref_slice %arg6[%multiple_of3A_163, %dma_wait3A_164] : memref<204800x256xf32, #tpu.memory_space<hbm>> -> memref<128x128xf32, #tpu.memory_space<hbm>>
    %dma_wait3A_166 = arith.constant 0 : i32
    %dma_wait3A_167 = tpu.memref_slice %arg6[%multiple_of3A_163, %dma_wait3A_166] : memref<204800x256xf32, #tpu.memory_space<hbm>> -> memref<128x128xf32, #tpu.memory_space<hbm>>
    tpu.wait_dma2 semaphore(%arg20 : memref<!tpu.dma_semaphore, #tpu.memory_space<semaphore_mem>>) src(%arg11 : memref<128x128xf32, #tpu.memory_space<vmem>>) dst(%dma_wait3A_167 : memref<128x128xf32, #tpu.memory_space<hbm>>)
    %dma_wait3A_168 = arith.constant 128 : i32
    %dma_wait3A_169 = tpu.memref_slice %arg6[%multiple_of3A_163, %dma_wait3A_168] : memref<204800x256xf32, #tpu.memory_space<hbm>> -> memref<128x128xf32, #tpu.memory_space<hbm>>
    %dma_wait3A_170 = arith.constant 128 : i32
    %dma_wait3A_171 = tpu.memref_slice %arg6[%multiple_of3A_163, %dma_wait3A_170] : memref<204800x256xf32, #tpu.memory_space<hbm>> -> memref<128x128xf32, #tpu.memory_space<hbm>>
    tpu.wait_dma2 semaphore(%arg20 : memref<!tpu.dma_semaphore, #tpu.memory_space<semaphore_mem>>) src(%arg14 : memref<128x128xf32, #tpu.memory_space<vmem>>) dst(%dma_wait3A_171 : memref<128x128xf32, #tpu.memory_space<hbm>>)
    %multiple_of3A_172 = arith.constant 6272 : i32
    %multiple_of3A_173 = tpu.assume_multiple %multiple_of3A_172, 128 : i32
    %dma_wait3A_174 = tpu.memref_slice %arg7[%multiple_of3A_173] : memref<6400xi32, #tpu.memory_space<vmem>> -> memref<128xi32, #tpu.memory_space<vmem>>
    %dma_wait3A_175 = arith.constant 0 : i32
    %dma_wait3A_176 = arith.constant 0 : i32
    %dma_wait3A_177 = tpu.memref_slice %arg2[%dma_wait3A_175, %dma_wait3A_176] : memref<100000x128xf32, #tpu.memory_space<hbm>> -> memref<100000x128xf32, #tpu.memory_space<hbm>>
    tpu.wait_indirect_dma semaphore(%arg16 : memref<!tpu.dma_semaphore, #tpu.memory_space<semaphore_mem>>) src(%dma_wait3A_177 : memref<100000x128xf32, #tpu.memory_space<hbm>>) dst(%arg10 : memref<128x128xf32, #tpu.memory_space<vmem>>)
    %dma_wait3A_178 = tpu.memref_slice %arg8[%multiple_of3A_173] : memref<6400xi32, #tpu.memory_space<vmem>> -> memref<128xi32, #tpu.memory_space<vmem>>
    %dma_wait3A_179 = arith.constant 0 : i32
    %dma_wait3A_180 = arith.constant 0 : i32
    %dma_wait3A_181 = tpu.memref_slice %arg3[%dma_wait3A_179, %dma_wait3A_180] : memref<1000x128xf32, #tpu.memory_space<hbm>> -> memref<1000x128xf32, #tpu.memory_space<hbm>>
    tpu.wait_indirect_dma semaphore(%arg16 : memref<!tpu.dma_semaphore, #tpu.memory_space<semaphore_mem>>) src(%dma_wait3A_181 : memref<1000x128xf32, #tpu.memory_space<hbm>>) dst(%arg13 : memref<128x128xf32, #tpu.memory_space<vmem>>)
    %add3A_182 = arith.constant 6272 : i32
    %add3A_183 = arith.addi %mul3A_2, %add3A_182 : i32
    %multiple_of3A_184 = tpu.assume_multiple %add3A_183, 128 : i32
    %dma_start3A_185 = arith.constant 0 : i32
    %dma_start3A_186 = tpu.memref_slice %arg6[%multiple_of3A_184, %dma_start3A_185] : memref<204800x256xf32, #tpu.memory_space<hbm>> -> memref<128x128xf32, #tpu.memory_space<hbm>>
    %dma_start3A_187 = arith.constant 0 : i32
    %dma_start3A_188 = tpu.memref_slice %arg6[%multiple_of3A_184, %dma_start3A_187] : memref<204800x256xf32, #tpu.memory_space<hbm>> -> memref<128x128xf32, #tpu.memory_space<hbm>>
    tpu.enqueue_dma source(%arg10 : memref<128x128xf32, #tpu.memory_space<vmem>>) target(%dma_start3A_188 : memref<128x128xf32, #tpu.memory_space<hbm>>) target_semaphore(%arg19 : memref<!tpu.dma_semaphore, #tpu.memory_space<semaphore_mem>>)
    %dma_start3A_189 = arith.constant 128 : i32
    %dma_start3A_190 = tpu.memref_slice %arg6[%multiple_of3A_184, %dma_start3A_189] : memref<204800x256xf32, #tpu.memory_space<hbm>> -> memref<128x128xf32, #tpu.memory_space<hbm>>
    %dma_start3A_191 = arith.constant 128 : i32
    %dma_start3A_192 = tpu.memref_slice %arg6[%multiple_of3A_184, %dma_start3A_191] : memref<204800x256xf32, #tpu.memory_space<hbm>> -> memref<128x128xf32, #tpu.memory_space<hbm>>
    tpu.enqueue_dma source(%arg13 : memref<128x128xf32, #tpu.memory_space<vmem>>) target(%dma_start3A_192 : memref<128x128xf32, #tpu.memory_space<hbm>>) target_semaphore(%arg19 : memref<!tpu.dma_semaphore, #tpu.memory_space<semaphore_mem>>)
    %add3A_193 = arith.constant 6144 : i32
    %add3A_194 = arith.addi %mul3A_2, %add3A_193 : i32
    %multiple_of3A_195 = tpu.assume_multiple %add3A_194, 128 : i32
    %dma_wait3A_196 = arith.constant 0 : i32
    %dma_wait3A_197 = tpu.memref_slice %arg6[%multiple_of3A_195, %dma_wait3A_196] : memref<204800x256xf32, #tpu.memory_space<hbm>> -> memref<128x128xf32, #tpu.memory_space<hbm>>
    %dma_wait3A_198 = arith.constant 0 : i32
    %dma_wait3A_199 = tpu.memref_slice %arg6[%multiple_of3A_195, %dma_wait3A_198] : memref<204800x256xf32, #tpu.memory_space<hbm>> -> memref<128x128xf32, #tpu.memory_space<hbm>>
    tpu.wait_dma2 semaphore(%arg18 : memref<!tpu.dma_semaphore, #tpu.memory_space<semaphore_mem>>) src(%arg9 : memref<128x128xf32, #tpu.memory_space<vmem>>) dst(%dma_wait3A_199 : memref<128x128xf32, #tpu.memory_space<hbm>>)
    %dma_wait3A_200 = arith.constant 128 : i32
    %dma_wait3A_201 = tpu.memref_slice %arg6[%multiple_of3A_195, %dma_wait3A_200] : memref<204800x256xf32, #tpu.memory_space<hbm>> -> memref<128x128xf32, #tpu.memory_space<hbm>>
    %dma_wait3A_202 = arith.constant 128 : i32
    %dma_wait3A_203 = tpu.memref_slice %arg6[%multiple_of3A_195, %dma_wait3A_202] : memref<204800x256xf32, #tpu.memory_space<hbm>> -> memref<128x128xf32, #tpu.memory_space<hbm>>
    tpu.wait_dma2 semaphore(%arg18 : memref<!tpu.dma_semaphore, #tpu.memory_space<semaphore_mem>>) src(%arg12 : memref<128x128xf32, #tpu.memory_space<vmem>>) dst(%dma_wait3A_203 : memref<128x128xf32, #tpu.memory_space<hbm>>)
    %add3A_204 = arith.constant 6272 : i32
    %add3A_205 = arith.addi %mul3A_2, %add3A_204 : i32
    %multiple_of3A_206 = tpu.assume_multiple %add3A_205, 128 : i32
    %dma_wait3A_207 = arith.constant 0 : i32
    %dma_wait3A_208 = tpu.memref_slice %arg6[%multiple_of3A_206, %dma_wait3A_207] : memref<204800x256xf32, #tpu.memory_space<hbm>> -> memref<128x128xf32, #tpu.memory_space<hbm>>
    %dma_wait3A_209 = arith.constant 0 : i32
    %dma_wait3A_210 = tpu.memref_slice %arg6[%multiple_of3A_206, %dma_wait3A_209] : memref<204800x256xf32, #tpu.memory_space<hbm>> -> memref<128x128xf32, #tpu.memory_space<hbm>>
    tpu.wait_dma2 semaphore(%arg19 : memref<!tpu.dma_semaphore, #tpu.memory_space<semaphore_mem>>) src(%arg10 : memref<128x128xf32, #tpu.memory_space<vmem>>) dst(%dma_wait3A_210 : memref<128x128xf32, #tpu.memory_space<hbm>>)
    %dma_wait3A_211 = arith.constant 128 : i32
    %dma_wait3A_212 = tpu.memref_slice %arg6[%multiple_of3A_206, %dma_wait3A_211] : memref<204800x256xf32, #tpu.memory_space<hbm>> -> memref<128x128xf32, #tpu.memory_space<hbm>>
    %dma_wait3A_213 = arith.constant 128 : i32
    %dma_wait3A_214 = tpu.memref_slice %arg6[%multiple_of3A_206, %dma_wait3A_213] : memref<204800x256xf32, #tpu.memory_space<hbm>> -> memref<128x128xf32, #tpu.memory_space<hbm>>
    tpu.wait_dma2 semaphore(%arg19 : memref<!tpu.dma_semaphore, #tpu.memory_space<semaphore_mem>>) src(%arg13 : memref<128x128xf32, #tpu.memory_space<vmem>>) dst(%dma_wait3A_214 : memref<128x128xf32, #tpu.memory_space<hbm>>)
    return
  }
}

</mosaic_0001>

<sc_bundles>
// kernel: kernel.3.cloned.1.call-start
scs
__scs_entry_jumppad:
0x0: {  	(pc) =	sbr.rel $0x88, $3  }
0x1: {  	(tag) =	ssettag $0x0;
	lr =	simm.s32 $0x1  }
0x2: {  	[smem:$0x3F9D] =	sst lr;
	_ =	strace $0xD0000000  }
0x3: {  	_ = 	snop  }
0x4: {  	_ = 	snop  }
0x5: {  	_ = 	snop  }
0x6: {  	_ = 	snop  }
0x7: {  	_ = 	snop  }
__scs_overlays_trampoline_lowered:
0x8: {  	[smem:$0x3FAC] =	sst s0  }
0x9: {  	[smem:$0x3FAD] =	sst s1  }
0xa: {  	[smem:$0x3FAE] =	sst s2  }
0xb: {  	[smem:$0x3FAF] =	sst s3  }
0xc: {  	[smem:$0x3FB0] =	sst s4  }
0xd: {  	[smem:$0x3FB1] =	sst s5  }
0xe: {  	[smem:$0x3FB2] =	sst s6  }
0xf: {  	[smem:$0x3FB3] =	sst s7  }
0x10: {  	[smem:$0x3FB4] =	sst s8  }
0x11: {  	[smem:$0x3FB5] =	sst s9;
	s0 =	simm.s32 @!p0 $0x0  }
0x12: {  	s1 =	sld [smem:$0x3F9B];
	s0 =	simm.s32 @p0 $0x1  }
0x13: {  	[smem:$0x3FB6] =	sst s0;
	s0 =	simm.s32 @!p1 $0x0  }
0x14: {  	s2 =	sld [smem:$0x3F9A];
	s0 =	simm.s32 @p1 $0x1  }
0x15: {  	[smem:$0x3FB7] =	sst s0;
	s0 =	simm.s32 @!p2 $0x0  }
0x16: {  	s3 =	sld [smem:$0x3FDB];
	s0 =	simm.s32 @p2 $0x1  }
0x17: {  	s4 =	simm.s32 $0x1BF5;
	[smem:$0x3FB9] =	sst s0  }
0x18: {  	s0 =	sld [smem:$0x3F9C];
	_ =	swait.ge [sflag:s4], $0x0  }
0x19: {  	s7 =	sld [smem:$0x3F9D]  }
0x1a: {  	s8 =	sadd.s32 $0xFFFFE003, lr  }
0x1b: {  	s9 =	sadd.s32 $0xFFFFFEF7, lr;
	s5 =	simm.s32 $0xFFFFFFFF;
	p2 =	slt.u32 s8, $0xFFFFF086  }
0x1c: {  	p1 =	slt.u32 s9, $0xF7A;
	s5 =	simm.s32 @!p2 $0x0  }
0x1d: {  	s5 =	simm.s32 @p1 $0x1;
	p0 =	seq.s32 s7, s2  }
0x1e: {  	s7 =	smul.u32 @!p0 $0xF7A, s2;
	p2 =	seq.s32 @!p0 s5, $0x0  }
0x1f: {  	s9 =	smul.u32 $0xF7A, s1;
	s8 =	simm.s32 @!p0 $0x1BF5;
	p2 =	por !p2, p0  }
0x20: {  	[sflag:s8] =	ssyncset.s32 @!p0 $0xFFFFF086;
	s6 =	sadd.s32 @!p0 s3, s7;
	s7 =	simm.s32 @!p0 $0x108  }
0x21: {  	s3 =	sadd.s32 s3, s9;
	s6 =	sadd.s32 @!p0 $0x88, s6;
	s7 =	simm.s32 @p2 $0x1082  }
0x22: {  	[simem:s7], [sflag:s8] =	dma.local @!p0 [hbm:s6], $0xF7A  }
0x23: {  	s9 =	sor.u32 $0xD0000000, s2;
	s6 =	simm.s32 $0x108;
	_ =	swait.ge @!p0 [sflag:s8], $0x0  }
0x24: {  	s3 =	sadd.s32 $0x88, s3;
	s6 =	simm.s32 @!p1 $0x1082;
	[sflag:s4] =	ssyncset.s32 $0xFFFFF086  }
0x25: {  	[simem:s6], [sflag:s4] =	dma.local [hbm:s3], $0xF7A  }
0x26: {  	[smem:$0x3F9D] =	sst s1;
	(tag) =	ssettag s2;
	_ =	strace s9  }
0x27: {  	s1 =	sld [smem:$0x3FAD]  }
0x28: {  	s2 =	sld [smem:$0x3FAE]  }
0x29: {  	s4 =	sld [smem:$0x3FB0]  }
0x2a: {  	p0 =	seq.s32 s5, $0x0;
	s5 =	sld [smem:$0x3FB1]  }
0x2b: {  	s6 =	sld [smem:$0x3FB2]  }
0x2c: {  	s7 =	sld [smem:$0x3FB3]  }
0x2d: {  	s3 =	simm.s32 $0x108;
	s8 =	sld [smem:$0x3FB4]  }
0x2e: {  	s3 =	simm.s32 @!p0 $0x1082;
	s9 =	sld [smem:$0x3FB5]  }
0x2f: {  	lr =	sadd.s32 s0, s3;
	s0 =	sld [smem:$0x3FAC]  }
0x30: {  	s3 =	sld [smem:$0x3FAF]  }
0x31: {  	[smem:$0x3FB8] =	sst s10  }
0x32: {  	s10 =	sld [smem:$0x3FB6];
	_ =	sdelay $0x3  }
0x33: {  	p0 =	seq.s32 s10, $0x1;
	s10 =	sld [smem:$0x3FB8];
	_ =	sdelay $0x3  }
0x34: {  	[smem:$0x3FB8] =	sst s10  }
0x35: {  	s10 =	sld [smem:$0x3FB7];
	_ =	sdelay $0x3  }
0x36: {  	p1 =	seq.s32 s10, $0x1;
	s10 =	sld [smem:$0x3FB8];
	_ =	sdelay $0x3  }
0x37: {  	[smem:$0x3FB8] =	sst s10  }
0x38: {  	s10 =	sld [smem:$0x3FB9]  }
0x39: {  	_ = 	snop;
	(pc) =	sbr.ind lr, $3  }
0x3a: {  	_ = 	snop  }
0x3b: {  	_ = 	snop  }
0x3c: {  	p2 =	seq.s32 s10, $0x1;
	s10 =	sld [smem:$0x3FB8]  }
0x3d: {  	_ =	shalt  }
0x3e: {  	_ =	shalt  }
0x3f: {  	_ =	shalt  }
0x40: {  	_ =	shalt  }
0x41: {  	_ =	shalt  }
0x42: {  	_ =	shalt  }
0x43: {  	_ =	shalt  }
0x44: {  	_ =	shalt  }
0x45: {  	_ =	shalt  }
0x46: {  	_ =	shalt  }
0x47: {  	_ =	shalt  }
0x48: {  	_ =	shalt  }
0x49: {  	_ =	shalt  }
0x4a: {  	_ =	shalt  }
0x4b: {  	_ =	shalt  }
0x4c: {  	_ =	shalt  }
0x4d: {  	_ =	shalt  }
0x4e: {  	_ =	shalt  }
0x4f: {  	_ =	shalt  }
0x50: {  	_ =	shalt  }
0x51: {  	_ =	shalt  }
0x52: {  	_ =	shalt  }
0x53: {  	_ =	shalt  }
0x54: {  	_ =	shalt  }
0x55: {  	_ =	shalt  }
0x56: {  	_ =	shalt  }
0x57: {  	_ =	shalt  }
0x58: {  	_ =	shalt  }
0x59: {  	_ =	shalt  }
0x5a: {  	_ =	shalt  }
0x5b: {  	_ =	shalt  }
0x5c: {  	_ =	shalt  }
0x5d: {  	_ =	shalt  }
0x5e: {  	_ =	shalt  }
0x5f: {  	_ =	shalt  }
0x60: {  	_ =	shalt  }
0x61: {  	_ =	shalt  }
0x62: {  	_ =	shalt  }
0x63: {  	_ =	shalt  }
0x64: {  	_ =	shalt  }
0x65: {  	_ =	shalt  }
0x66: {  	_ =	shalt  }
0x67: {  	_ =	shalt  }
0x68: {  	_ =	shalt  }
0x69: {  	_ =	shalt  }
0x6a: {  	_ =	shalt  }
0x6b: {  	_ =	shalt  }
0x6c: {  	_ =	shalt  }
0x6d: {  	_ =	shalt  }
0x6e: {  	_ =	shalt  }
0x6f: {  	_ =	shalt  }
0x70: {  	_ =	shalt  }
0x71: {  	_ =	shalt  }
0x72: {  	_ =	shalt  }
0x73: {  	_ =	shalt  }
0x74: {  	_ =	shalt  }
0x75: {  	_ =	shalt  }
0x76: {  	_ =	shalt  }
0x77: {  	_ =	shalt  }
0x78: {  	_ =	shalt  }
0x79: {  	_ =	shalt  }
0x7a: {  	_ =	shalt  }
0x7b: {  	_ =	shalt  }
0x7c: {  	_ =	shalt  }
0x7d: {  	_ =	shalt  }
0x7e: {  	_ =	shalt  }
0x7f: {  	_ =	shalt  }
0x80: {  	_ =	shalt  }
0x81: {  	_ =	shalt  }
0x82: {  	_ =	shalt  }
0x83: {  	_ =	shalt  }
0x84: {  	_ =	shalt  }
0x85: {  	_ =	shalt  }
0x86: {  	_ =	shalt  }
0x87: {  	_ =	shalt  }
.Lfunc_end0:
.L_simem_size_0:
called_computation_lowered:
.L_overlay_start_0:
0x88: {  	s2 =	sld [smem:$0x3FD9]  }
0x89: {  	s3 =	sld [smem:$0x3FFE];
	_ =	sdelay $0x1  }
0x8a: {  	s1 =	srdreg.scid  }
0x8b: {  	s0 =	sand.u32 $0x1, s1  }
0x8c: {  	s17 =	sshll.u32 s0, $0xA;
	s2 =	sadd.s32 s3, s2  }
0x8d: {  	s2 =	sadd.s32 s2, s17  }
0x8e: {  	[smem:$0x3FC4] =	sst s2  }
0x8f: {  	_ = 	snop  }
0x90: {  	s2 =	sld [smem:$0x3FC7]  }
0x91: {  	s18 =	sld [smem:$0x3FC6]  }
0x92: {  	s4 =	sld [smem:$0x3FD0];
	(tm) =	ssettm $0x1  }
0x93: {  	s5 =	sld [smem:$0x3FFB];
	_ =	sdelay $0x3  }
0x94: {  	_ =	strace s5  }
0x95: {  	s5 =	sld [smem:$0x3FFC];
	_ =	sdelay $0x3  }
0x96: {  	_ =	strace s5  }
0x97: {  	s5 =	sld [smem:$0x3FFD];
	_ =	sdelay $0x3  }
0x98: {  	_ =	strace s5  }
0x99: {  	_ =	strace $0x8FFFFFFF  }
0x9a: {  	s19 =	sld [smem:$0x3FDB];
	_ =	sdelay $0x1  }
0x9b: {  	s6 =	simm.s32 $_scs_section_size  }
0x9c: {  	s7 =	simm.s32 $_size__tile_overlayer_lowered;
	s8 =	simm.s32 $_tile_overlayer_lowered  }
0x9d: {  	s22 =	simm.s32 $0x1BFF;
	s21 =	sshll.u32 s8, $0x1;
	s5 =	sadd.s32 s6, s19  }
0x9e: {  	s9 =	simm.s32 $0x0;
	s20 =	sshll.u32 s7, $0x1;
	s7 =	sadd.s32 s21, s5  }
0x9f: {  	[timem:s9], [sflag:s22] =	dma.local [hbm:s7], s20  }
0xa0: {  	_ =	swait.ge [sflag:s22], s20  }
0xa1: {  	s6 =	ssub.s32 $0x0, s20;
	[sflag:s22] =	ssyncset.done $0x0  }
0xa2: {  	[sflag:s22] =	ssyncadd.s32 s6;
	_ =	sdelay $0x1  }
0xa3: {  	s23 =	simm.s32 $0x1B8B  }
0xa4: {  	_ =	swait.ge [sflag:s23], $0x1  }
0xa5: {  	[sflag:s23] =	ssyncset.done $0x0  }
0xa6: {  	s25 =	simm.s32 $0x1B8E;
	s24 =	sld [smem:$0x3FFE];
	[sflag:s23] =	ssyncadd.s32 $0xFFFFFFFF  }
0xa7: {  	s26 =	simm.s32 $execute0_lowered;
	[smem:$0x3FD2] =	sst s25  }
0xa8: {  	s7 =	sshll.u32 s26, $0x1;
	_ =	strace $0x80000046;
	[dreg:$0x1] =	wrdreg $0xFFFFFFFF  }
0xa9: {  	s28 =	simm.s32 $_size_execute0_lowered;
	s5 =	sadd.s32 s5, s7;
	[dreg:$0x0] =	wrdreg $0x0  }
0xaa: {  	s7 =	sshll.u32 s28, $0x1;
	[dreg:$0x2] =	wrdreg s5  }
0xab: {  	[dreg:$0x3] =	wrdreg s7  }
0xac: {  	[dreg:$0x4] =	wrdreg $0xC0  }
0xad: {  	_ =	task [dreg:s9], $0x5FFFF  }
0xae: {  	[dreg:$0x1] =	wrdreg $0xFFFFFFFF  }
0xaf: {  	[dreg:$0x0] =	wrdreg $0x60  }
0xb0: {  	[dreg:$0x2] =	wrdreg s2  }
0xb1: {  	[dreg:$0x3] =	wrdreg s18  }
0xb2: {  	[dreg:$0x4] =	wrdreg s24  }
0xb3: {  	[dreg:$0x5] =	wrdreg s4  }
0xb4: {  	[dreg:$0x6] =	wrdreg $0x9  }
0xb5: {  	_ =	task.clear_ibuf [dreg:s9], $0x7FFFF;
	_ =	strace $0x90000046  }
0xb6: {  	s29 =	simm.s32 $0x9;
	_ =	strace $0x80000048  }
0xb7: {  	_ =	swait.ge [sflag:s29], $0x1  }
0xb8: {  	[sflag:s29] =	ssyncadd.s32 $0xFFFFFFFF  }
0xb9: {  	_ =	strace $0x90000048  }
0xba: {  	_ =	sfence  }
0xbb: {  	s30 =	sld [smem:$0x0];
	_ =	sdelay $0x2  }
0xbc: {  	s31 =	sshll.u32 s1, $0xD;
	s1 =	sshrl.u32 s1, $0x2  }
0xbd: {  	s3 =	sand.u32 $0x4000, s31;
	s1 =	sadd.s32 s1, s30  }
0xbe: {  	s0 =	sor.u32 s3, s0;
	s1 =	sshll.u32 s1, $0x11  }
0xbf: {  	s0 =	sor.u32 s1, s0  }
0xc0: {  	s0 =	sadd.s32 $0x8F2B, s0  }
0xc1: {  	[sflag:s0] =	ssyncadd.remote.s32 $0x1  }
0xc2: {  	_ =	sfence.sel $0xFFFF  }
0xc3: {  	[dreg:$0x0] =	wrdreg $0xFFFFFFFF;
	(pc) =	sbr.abs _section_cstart, $3  }
0xc4: {  	[dreg:$0x1] =	wrdreg $0xFFFFFFFF  }
0xc5: {  	_ =	task.clear_ibuf [dreg:s9], $0x2FFFF;
	_ =	strace $0x9FFFFFFF  }
0xc6: {  	(tm) =	ssettm $0x7FFFFFFF  }
0xc7: {  	_ =	shalt  }
tec
execute0_lowered:
.L_overlay_start_1:
0x0: {  	(tag) =	ssettag $0x1  }
0x1: {  	s1 =	rddreg [dreg:$0x0]  }
0x2: {  	s0 =	srdreg.scid;
	s10 =	stileid.u32  }
0x3: {  	s2 =	rddreg [dreg:$0x1];
	s0 =	sand.u32 $0x1, s0;
	s4 =	sshll.u32 s10, $0x1  }
0x4: {  	s3 =	rddreg [dreg:$0x2];
	s5 =	sor.u32 s0, s4  }
0x5: {  	s6 =	rddreg [dreg:$0x3];
	s28 =	simm.s32 $0x400;
	s7 =	smul.u32 $0x1900, s5  }
0x6: {  	s29 =	simm.s32 $0x800;
	s31 =	simm.s32 $0xB200;
	s30 =	simm.s32 $0x4  }
0x7: {  	s4 =	simm.s32 $0x0;
	s5 =	smul.u32 $0x190000, s5;
	s7 =	sshrl.u32 s7, $0x3  }
0x8: {  	s22 =	smul.u32 $0x64000, s10;
	[smem:$0x7FF] =	sst s4;
	s3 =	sadd.s32 s7, s3  }
0x9: {  	_ =	strace $0x80000047;
	s5 =	sshrl.u32 s5, $0x3;
	s18 =	sadd.s32 $0x400, s3  }
0xa: {  	s5 =	sadd.s32 s6, s5;
	s3 =	sadd.s32 $0x6800, s3;
	[dreg:$0x6] =	wrdreg s18  }
0xb: {  	s8 =	ssub.s32 $0x2, s0;
	s19 =	sadd.s32 $0x80, s5;
	[dreg:$0x7] =	wrdreg s3  }
0xc: {  	s0 =	smul.u32 $0x32000, s0;
	s20 =	sadd.s32 $0x1000, s5;
	[dreg:$0x8] =	wrdreg s19  }
0xd: {  	s9 =	sshrl.u32 s8, $0x1;
	s21 =	sadd.s32 $0x1080, s5;
	[dreg:$0x9] =	wrdreg s20  }
0xe: {  	s17 =	ssub.s32 s8, s9;
	s23 =	sadd.s32 $0x2000, s5;
	[dreg:$0xa] =	wrdreg s21  }
0xf: {  	s8 =	simm.s32 $0x0;
	s24 =	sadd.s32 $0x2080, s5;
	[dreg:$0xb] =	wrdreg s23  }
0x10: {  	s17 =	smax.u32 s17, $0x1;
	s25 =	sadd.s32 $0x30000, s5;
	[dreg:$0xc] =	wrdreg s24  }
0x11: {  	s7 =	simm.s32 $0x6;
	s26 =	sadd.s32 $0x30080, s5;
	[dreg:$0xd] =	wrdreg s25  }
0x12: {  	s15 =	sadd.s32 $0x31000, s5;
	s16 =	sadd.s32 $0x31080, s5;
	[dreg:$0xe] =	wrdreg s26  }
0x13: {  	s3 =	sadd.s32 s22, s6;
	s18 =	simm.s32 $0x7;
	s19 =	simm.s32 $0x1900  }
0x14: {  	s20 =	simm.s32 $0x80;
	s21 =	simm.s32 $0x3200;
	s22 =	simm.s32 $0xF200  }
0x15: {  	s23 =	simm.s32 $0x7200;
	s25 =	simm.s32 $0x13200;
	s26 =	simm.s32 $0x1  }
0x16: {  	s24 =	simm.s32 $0x2;
	s6 =	simm.s32 $0x5;
	s0 =	sadd.s32 s0, s3  }
0x17: {  	s3 =	simm.s32 $0x3;
	[dreg:$0x5] =	wrdreg s0;
	s0 =	simm.s32 $0x17200  }
.LBB2_1:
0x18: {  	s9 =	rddreg [dreg:$0x6]  }
0x19: {  	[tilespmem:s4], [sflag:$0x7] =	stream.linear.gather [hbm4b:s9+s4], $0x1900, $0x38;
	[tilespmem:$0x1B200] =	vst v63  }
0x1a: {  	_ =	swait.ge [sflag:s18], $0x1900  }
0x1b: {  	[sflag:s18] =	ssyncset.done $0x0  }
0x1c: {  	s10 =	rddreg [dreg:$0x7];
	[sflag:s18] =	ssyncadd.s32 $0xFFFFE700  }
0x1d: {  	[tilespmem:s19], [sflag:$0x7] =	stream.linear.gather [hbm4b:s10+s4], $0x1900, $0x38;
	[tilespmem:$0x1B200] =	vst v63  }
0x1e: {  	_ =	swait.ge [sflag:s18], $0x1900  }
0x1f: {  	[sflag:s18] =	ssyncset.done $0x0  }
0x20: {  	[sflag:s18] =	ssyncadd.s32 $0xFFFFE700  }
0x21: {  	[tilespmem:s21], [sflag:$0x1] =	stream.indirect.gather [hbm4b:s1+s20], $0x80, s4, s20, $0xb8;
	[tilespmem:$0x1B200] =	vst v63  }
0x22: {  	_ = 	snop  }
0x23: {  	[tilespmem:s22], [sflag:$0x1] =	stream.indirect.gather [hbm4b:s2+s20], $0x80, s19, s20, $0xb8;
	[tilespmem:$0x1B200] =	vst v63  }
0x24: {  	_ = 	snop  }
0x25: {  	[tilespmem:s23], [sflag:$0x2] =	stream.indirect.gather [hbm4b:s1+s20], $0x80, s20, s20, $0xb8;
	[tilespmem:$0x1B200] =	vst v63  }
0x26: {  	s11 =	simm.s32 $0x1980  }
0x27: {  	[tilespmem:s25], [sflag:$0x2] =	stream.indirect.gather [hbm4b:s2+s20], $0x80, s11, s20, $0xb8;
	[tilespmem:$0x1B200] =	vst v63  }
0x28: {  	_ =	swait.ge [sflag:s26], $0x4000  }
0x29: {  	[sflag:s26] =	ssyncset.done $0x0  }
0x2a: {  	[sflag:s26] =	ssyncadd.s32 $0xFFFFC000  }
0x2b: {  	_ =	swait.ge [sflag:s26], $0x4000  }
0x2c: {  	[sflag:s26] =	ssyncset.done $0x0  }
0x2d: {  	[sflag:s26] =	ssyncadd.s32 $0xFFFFC000  }
0x2e: {  	[hbm4b:s5+s28] =	stream.strided.scatter [tilespmem:s21], [sflag:$0x4], $0x4000, s29, s28, $0x38;
	[tilespmem:$0x1B200] =	vst v63  }
0x2f: {  	s12 =	rddreg [dreg:$0x8]  }
0x30: {  	[hbm4b:s12+s28] =	stream.strided.scatter [tilespmem:s22], [sflag:$0x4], $0x4000, s29, s28, $0x38;
	[tilespmem:$0x1B200] =	vst v63  }
0x31: {  	s13 =	simm.s32 $0x100  }
0x32: {  	[tilespmem:s31], [sflag:$0x3] =	stream.indirect.gather [hbm4b:s1+s20], $0x80, s13, s20, $0xb8;
	[tilespmem:$0x1B200] =	vst v63  }
0x33: {  	s14 =	simm.s32 $0x1A00  }
0x34: {  	[tilespmem:s0], [sflag:$0x3] =	stream.indirect.gather [hbm4b:s2+s20], $0x80, s14, s20, $0xb8;
	[tilespmem:$0x1B200] =	vst v63  }
0x35: {  	_ =	swait.ge [sflag:s24], $0x4000  }
0x36: {  	[sflag:s24] =	ssyncset.done $0x0  }
0x37: {  	[sflag:s24] =	ssyncadd.s32 $0xFFFFC000  }
0x38: {  	_ =	swait.ge [sflag:s24], $0x4000  }
0x39: {  	[sflag:s24] =	ssyncset.done $0x0  }
0x3a: {  	s10 =	rddreg [dreg:$0x9];
	[sflag:s24] =	ssyncadd.s32 $0xFFFFC000  }
0x3b: {  	[hbm4b:s10+s28] =	stream.strided.scatter [tilespmem:s23], [sflag:$0x5], $0x4000, s29, s28, $0x38;
	[tilespmem:$0x1B200] =	vst v63  }
0x3c: {  	s11 =	rddreg [dreg:$0xa]  }
0x3d: {  	[hbm4b:s11+s28] =	stream.strided.scatter [tilespmem:s25], [sflag:$0x5], $0x4000, s29, s28, $0x38;
	[tilespmem:$0x1B200] =	vst v63  }
0x3e: {  	_ =	swait.ge [sflag:s30], $0x4000  }
0x3f: {  	[sflag:s30] =	ssyncset.done $0x0  }
0x40: {  	[sflag:s30] =	ssyncadd.s32 $0xFFFFC000  }
0x41: {  	_ =	swait.ge [sflag:s30], $0x4000  }
0x42: {  	[sflag:s30] =	ssyncset.done $0x0  }
0x43: {  	s12 =	simm.s32 $0x180;
	[sflag:s30] =	ssyncadd.s32 $0xFFFFC000  }
0x44: {  	[tilespmem:s21], [sflag:$0x1] =	stream.indirect.gather [hbm4b:s1+s20], $0x80, s12, s20, $0xb8;
	[tilespmem:$0x1B200] =	vst v63  }
0x45: {  	s13 =	simm.s32 $0x1A80  }
0x46: {  	[tilespmem:s22], [sflag:$0x1] =	stream.indirect.gather [hbm4b:s2+s20], $0x80, s13, s20, $0xb8;
	[tilespmem:$0x1B200] =	vst v63  }
0x47: {  	_ =	swait.ge [sflag:s3], $0x4000  }
0x48: {  	[sflag:s3] =	ssyncset.done $0x0  }
0x49: {  	[sflag:s3] =	ssyncadd.s32 $0xFFFFC000  }
0x4a: {  	_ =	swait.ge [sflag:s3], $0x4000  }
0x4b: {  	[sflag:s3] =	ssyncset.done $0x0  }
0x4c: {  	s14 =	rddreg [dreg:$0xb];
	[sflag:s3] =	ssyncadd.s32 $0xFFFFC000  }
0x4d: {  	[hbm4b:s14+s28] =	stream.strided.scatter [tilespmem:s31], [sflag:$0x6], $0x4000, s29, s28, $0x38;
	[tilespmem:$0x1B200] =	vst v63  }
0x4e: {  	s10 =	rddreg [dreg:$0xc]  }
0x4f: {  	[hbm4b:s10+s28] =	stream.strided.scatter [tilespmem:s0], [sflag:$0x6], $0x4000, s29, s28, $0x38;
	[tilespmem:$0x1B200] =	vst v63  }
0x50: {  	_ =	swait.ge [sflag:s6], $0x4000  }
0x51: {  	[sflag:s6] =	ssyncset.done $0x0  }
0x52: {  	[sflag:s6] =	ssyncadd.s32 $0xFFFFC000  }
0x53: {  	_ =	swait.ge [sflag:s6], $0x4000  }
0x54: {  	[sflag:s6] =	ssyncset.done $0x0  }
0x55: {  	s11 =	simm.s32 $0x200;
	[sflag:s6] =	ssyncadd.s32 $0xFFFFC000  }
0x56: {  	[tilespmem:s23], [sflag:$0x2] =	stream.indirect.gather [hbm4b:s1+s20], $0x80, s11, s20, $0xb8;
	[tilespmem:$0x1B200] =	vst v63  }
0x57: {  	s12 =	simm.s32 $0x1B00  }
0x58: {  	[tilespmem:s25], [sflag:$0x2] =	stream.indirect.gather [hbm4b:s2+s20], $0x80, s12, s20, $0xb8;
	[tilespmem:$0x1B200] =	vst v63  }
0x59: {  	_ =	swait.ge [sflag:s26], $0x4000  }
0x5a: {  	[sflag:s26] =	ssyncset.done $0x0  }
0x5b: {  	[sflag:s26] =	ssyncadd.s32 $0xFFFFC000  }
0x5c: {  	_ =	swait.ge [sflag:s26], $0x4000  }
0x5d: {  	s13 =	rddreg [dreg:$0x5]  }
0x5e: {  	[sflag:s26] =	ssyncset.done $0x0;
	s9 =	sadd.s32 $0x0, s13  }
0x5f: {  	[sflag:s26] =	ssyncadd.s32 $0xFFFFC000;
	s10 =	sadd.s32 $0x3000, s9  }
0x60: {  	[hbm4b:s10+s28] =	stream.strided.scatter [tilespmem:s21], [sflag:$0x4], $0x4000, s29, s28, $0x38;
	[tilespmem:$0x1B200] =	vst v63  }
0x61: {  	s14 =	sadd.s32 $0x3080, s9  }
0x62: {  	[hbm4b:s14+s28] =	stream.strided.scatter [tilespmem:s22], [sflag:$0x4], $0x4000, s29, s28, $0x38;
	[tilespmem:$0x1B200] =	vst v63  }
0x63: {  	_ =	swait.ge [sflag:s7], $0x4000  }
0x64: {  	[sflag:s7] =	ssyncset.done $0x0  }
0x65: {  	[sflag:s7] =	ssyncadd.s32 $0xFFFFC000  }
0x66: {  	_ =	swait.ge [sflag:s7], $0x4000  }
0x67: {  	[sflag:s7] =	ssyncset.done $0x0  }
0x68: {  	s11 =	simm.s32 $0x280;
	[sflag:s7] =	ssyncadd.s32 $0xFFFFC000  }
0x69: {  	[tilespmem:s31], [sflag:$0x3] =	stream.indirect.gather [hbm4b:s1+s20], $0x80, s11, s20, $0xb8;
	[tilespmem:$0x1B200] =	vst v63  }
0x6a: {  	s12 =	simm.s32 $0x1B80  }
0x6b: {  	[tilespmem:s0], [sflag:$0x3] =	stream.indirect.gather [hbm4b:s2+s20], $0x80, s12, s20, $0xb8;
	[tilespmem:$0x1B200] =	vst v63  }
0x6c: {  	_ =	swait.ge [sflag:s24], $0x4000  }
0x6d: {  	[sflag:s24] =	ssyncset.done $0x0  }
0x6e: {  	[sflag:s24] =	ssyncadd.s32 $0xFFFFC000  }
0x6f: {  	_ =	swait.ge [sflag:s24], $0x4000  }
0x70: {  	[sflag:s24] =	ssyncset.done $0x0  }
0x71: {  	s13 =	sadd.s32 $0x4000, s9;
	[sflag:s24] =	ssyncadd.s32 $0xFFFFC000  }
0x72: {  	[hbm4b:s13+s28] =	stream.strided.scatter [tilespmem:s23], [sflag:$0x5], $0x4000, s29, s28, $0x38;
	[tilespmem:$0x1B200] =	vst v63  }
0x73: {  	s14 =	sadd.s32 $0x4080, s9  }
0x74: {  	[hbm4b:s14+s28] =	stream.strided.scatter [tilespmem:s25], [sflag:$0x5], $0x4000, s29, s28, $0x38;
	[tilespmem:$0x1B200] =	vst v63  }
0x75: {  	_ =	swait.ge [sflag:s30], $0x4000  }
0x76: {  	[sflag:s30] =	ssyncset.done $0x0  }
0x77: {  	[sflag:s30] =	ssyncadd.s32 $0xFFFFC000  }
0x78: {  	_ =	swait.ge [sflag:s30], $0x4000  }
0x79: {  	[sflag:s30] =	ssyncset.done $0x0  }
0x7a: {  	s11 =	simm.s32 $0x300;
	[sflag:s30] =	ssyncadd.s32 $0xFFFFC000  }
0x7b: {  	[tilespmem:s21], [sflag:$0x1] =	stream.indirect.gather [hbm4b:s1+s20], $0x80, s11, s20, $0xb8;
	[tilespmem:$0x1B200] =	vst v63  }
0x7c: {  	s12 =	simm.s32 $0x1C00  }
0x7d: {  	[tilespmem:s22], [sflag:$0x1] =	stream.indirect.gather [hbm4b:s2+s20], $0x80, s12, s20, $0xb8;
	[tilespmem:$0x1B200] =	vst v63  }
0x7e: {  	_ =	swait.ge [sflag:s3], $0x4000  }
0x7f: {  	[sflag:s3] =	ssyncset.done $0x0  }
0x80: {  	[sflag:s3] =	ssyncadd.s32 $0xFFFFC000  }
0x81: {  	_ =	swait.ge [sflag:s3], $0x4000  }
0x82: {  	[sflag:s3] =	ssyncset.done $0x0  }
0x83: {  	s13 =	sadd.s32 $0x5000, s9;
	[sflag:s3] =	ssyncadd.s32 $0xFFFFC000  }
0x84: {  	[hbm4b:s13+s28] =	stream.strided.scatter [tilespmem:s31], [sflag:$0x6], $0x4000, s29, s28, $0x38;
	[tilespmem:$0x1B200] =	vst v63  }
0x85: {  	s9 =	sadd.s32 $0x5080, s9  }
0x86: {  	[hbm4b:s9+s28] =	stream.strided.scatter [tilespmem:s0], [sflag:$0x6], $0x4000, s29, s28, $0x38;
	[tilespmem:$0x1B200] =	vst v63  }
0x87: {  	_ =	swait.ge [sflag:s6], $0x4000  }
0x88: {  	[sflag:s6] =	ssyncset.done $0x0  }
0x89: {  	[sflag:s6] =	ssyncadd.s32 $0xFFFFC000  }
0x8a: {  	s10 =	simm.s32 $0x3000;
	_ =	swait.ge [sflag:s6], $0x4000  }
0x8b: {  	s14 =	simm.s32 $0x380;
	s11 =	simm.s32 $0x500;
	[sflag:s6] =	ssyncset.done $0x0  }
0x8c: {  	s12 =	simm.s32 $0x1E00;
	s9 =	simm.s32 $0x1C80;
	[sflag:s6] =	ssyncadd.s32 $0xFFFFC000  }
0x8d: {  	[tilespmem:s23], [sflag:$0x2] =	stream.indirect.gather [hbm4b:s1+s20], $0x80, s14, s20, $0xb8;
	[tilespmem:$0x1B200] =	vst v63  }
.LBB2_2:
0x8e: {  	[tilespmem:s25], [sflag:$0x2] =	stream.indirect.gather [hbm4b:s2+s20], $0x80, s9, s20, $0xb8;
	[tilespmem:$0x1B200] =	vst v63  }
0x8f: {  	_ =	swait.ge [sflag:s26], $0x4000  }
0x90: {  	[sflag:s26] =	ssyncset.done $0x0  }
0x91: {  	[sflag:s26] =	ssyncadd.s32 $0xFFFFC000  }
0x92: {  	_ =	swait.ge [sflag:s26], $0x4000  }
0x93: {  	s13 =	smov.u32 s10;
	s14 =	rddreg [dreg:$0x5]  }
0x94: {  	[sflag:s26] =	ssyncset.done $0x0;
	s13 =	sadd.s32 s13, s14  }
0x95: {  	[sflag:s26] =	ssyncadd.s32 $0xFFFFC000;
	s14 =	sadd.s32 $0x3000, s13  }
0x96: {  	[hbm4b:s14+s28] =	stream.strided.scatter [tilespmem:s21], [sflag:$0x4], $0x4000, s29, s28, $0x38;
	[tilespmem:$0x1B200] =	vst v63  }
0x97: {  	s14 =	sadd.s32 $0x3080, s13  }
0x98: {  	[hbm4b:s14+s28] =	stream.strided.scatter [tilespmem:s22], [sflag:$0x4], $0x4000, s29, s28, $0x38;
	[tilespmem:$0x1B200] =	vst v63  }
0x99: {  	_ =	swait.ge [sflag:s7], $0x4000  }
0x9a: {  	[sflag:s7] =	ssyncset.done $0x0  }
0x9b: {  	[sflag:s7] =	ssyncadd.s32 $0xFFFFC000  }
0x9c: {  	_ =	swait.ge [sflag:s7], $0x4000  }
0x9d: {  	[sflag:s7] =	ssyncset.done $0x0  }
0x9e: {  	s14 =	sadd.s32 $0xFFFFFF00, s11;
	[sflag:s7] =	ssyncadd.s32 $0xFFFFC000  }
0x9f: {  	[tilespmem:s31], [sflag:$0x3] =	stream.indirect.gather [hbm4b:s1+s20], $0x80, s14, s20, $0xb8;
	[tilespmem:$0x1B200] =	vst v63  }
0xa0: {  	s14 =	sadd.s32 $0xFFFFFF00, s12  }
0xa1: {  	[tilespmem:s0], [sflag:$0x3] =	stream.indirect.gather [hbm4b:s2+s20], $0x80, s14, s20, $0xb8;
	[tilespmem:$0x1B200] =	vst v63  }
0xa2: {  	_ =	swait.ge [sflag:s24], $0x4000  }
0xa3: {  	[sflag:s24] =	ssyncset.done $0x0  }
0xa4: {  	[sflag:s24] =	ssyncadd.s32 $0xFFFFC000  }
0xa5: {  	_ =	swait.ge [sflag:s24], $0x4000  }
0xa6: {  	[sflag:s24] =	ssyncset.done $0x0  }
0xa7: {  	s14 =	sadd.s32 $0x4000, s13;
	[sflag:s24] =	ssyncadd.s32 $0xFFFFC000  }
0xa8: {  	[hbm4b:s14+s28] =	stream.strided.scatter [tilespmem:s23], [sflag:$0x5], $0x4000, s29, s28, $0x38;
	[tilespmem:$0x1B200] =	vst v63  }
0xa9: {  	s14 =	sadd.s32 $0x4080, s13  }
0xaa: {  	[hbm4b:s14+s28] =	stream.strided.scatter [tilespmem:s25], [sflag:$0x5], $0x4000, s29, s28, $0x38;
	[tilespmem:$0x1B200] =	vst v63  }
0xab: {  	_ =	swait.ge [sflag:s30], $0x4000  }
0xac: {  	[sflag:s30] =	ssyncset.done $0x0  }
0xad: {  	[sflag:s30] =	ssyncadd.s32 $0xFFFFC000  }
0xae: {  	_ =	swait.ge [sflag:s30], $0x4000  }
0xaf: {  	[sflag:s30] =	ssyncset.done $0x0  }
0xb0: {  	s14 =	sadd.s32 $0xFFFFFF80, s11;
	[sflag:s30] =	ssyncadd.s32 $0xFFFFC000  }
0xb1: {  	[tilespmem:s21], [sflag:$0x1] =	stream.indirect.gather [hbm4b:s1+s20], $0x80, s14, s20, $0xb8;
	[tilespmem:$0x1B200] =	vst v63  }
0xb2: {  	s14 =	sadd.s32 $0xFFFFFF80, s12  }
0xb3: {  	[tilespmem:s22], [sflag:$0x1] =	stream.indirect.gather [hbm4b:s2+s20], $0x80, s14, s20, $0xb8;
	[tilespmem:$0x1B200] =	vst v63  }
0xb4: {  	_ =	swait.ge [sflag:s3], $0x4000  }
0xb5: {  	[sflag:s3] =	ssyncset.done $0x0  }
0xb6: {  	[sflag:s3] =	ssyncadd.s32 $0xFFFFC000  }
0xb7: {  	_ =	swait.ge [sflag:s3], $0x4000  }
0xb8: {  	[sflag:s3] =	ssyncset.done $0x0  }
0xb9: {  	s14 =	sadd.s32 $0x5000, s13;
	[sflag:s3] =	ssyncadd.s32 $0xFFFFC000  }
0xba: {  	[hbm4b:s14+s28] =	stream.strided.scatter [tilespmem:s31], [sflag:$0x6], $0x4000, s29, s28, $0x38;
	[tilespmem:$0x1B200] =	vst v63  }
0xbb: {  	s13 =	sadd.s32 $0x5080, s13  }
0xbc: {  	[hbm4b:s13+s28] =	stream.strided.scatter [tilespmem:s0], [sflag:$0x6], $0x4000, s29, s28, $0x38;
	[tilespmem:$0x1B200] =	vst v63  }
0xbd: {  	_ =	swait.ge [sflag:s6], $0x4000  }
0xbe: {  	[sflag:s6] =	ssyncset.done $0x0  }
0xbf: {  	p0 =	sne.s32 s10, $0x27000;
	[sflag:s6] =	ssyncadd.s32 $0xFFFFC000  }
.Ltmp0:
0xc0: {  	_ =	swait.ge [sflag:s6], $0x4000;
	(pc) =	sbr.rel @p0 .LBB2_2-.Ltmp0, $4  }
0xc1: {  	[sflag:s6] =	ssyncset.done $0x0  }
0xc2: {  	s9 =	smov.u32 s12;
	[sflag:s6] =	ssyncadd.s32 $0xFFFFC000  }
0xc3: {  	[tilespmem:s23], [sflag:$0x2] =	stream.indirect.gather [hbm4b:s1+s20], $0x80, s11, s20, $0xb8;
	[tilespmem:$0x1B200] =	vst v63  }
0xc4: {  	s10 =	sadd.s32 $0x3000, s10;
	s12 =	sadd.s32 $0x180, s12;
	s11 =	sadd.s32 $0x180, s11  }
0xc5: {  	[tilespmem:s25], [sflag:$0x2] =	stream.indirect.gather [hbm4b:s2+s20], $0x80, s9, s20, $0xb8;
	[tilespmem:$0x1B200] =	vst v63  }
0xc6: {  	_ =	swait.ge [sflag:s26], $0x4000  }
0xc7: {  	[sflag:s26] =	ssyncset.done $0x0  }
0xc8: {  	[sflag:s26] =	ssyncadd.s32 $0xFFFFC000  }
0xc9: {  	_ =	swait.ge [sflag:s26], $0x4000  }
0xca: {  	[sflag:s26] =	ssyncset.done $0x0  }
0xcb: {  	s13 =	rddreg [dreg:$0xd];
	[sflag:s26] =	ssyncadd.s32 $0xFFFFC000  }
0xcc: {  	[hbm4b:s13+s28] =	stream.strided.scatter [tilespmem:s21], [sflag:$0x4], $0x4000, s29, s28, $0x38;
	[tilespmem:$0x1B200] =	vst v63  }
0xcd: {  	s14 =	rddreg [dreg:$0xe]  }
0xce: {  	[hbm4b:s14+s28] =	stream.strided.scatter [tilespmem:s22], [sflag:$0x4], $0x4000, s29, s28, $0x38;
	[tilespmem:$0x1B200] =	vst v63  }
0xcf: {  	_ =	swait.ge [sflag:s7], $0x4000  }
0xd0: {  	[sflag:s7] =	ssyncset.done $0x0  }
0xd1: {  	[sflag:s7] =	ssyncadd.s32 $0xFFFFC000  }
0xd2: {  	_ =	swait.ge [sflag:s7], $0x4000  }
0xd3: {  	[sflag:s7] =	ssyncset.done $0x0  }
0xd4: {  	[sflag:s7] =	ssyncadd.s32 $0xFFFFC000  }
0xd5: {  	_ =	swait.ge [sflag:s24], $0x4000  }
0xd6: {  	[sflag:s24] =	ssyncset.done $0x0  }
0xd7: {  	[sflag:s24] =	ssyncadd.s32 $0xFFFFC000  }
0xd8: {  	_ =	swait.ge [sflag:s24], $0x4000  }
0xd9: {  	[sflag:s24] =	ssyncset.done $0x0  }
0xda: {  	[sflag:s24] =	ssyncadd.s32 $0xFFFFC000  }
0xdb: {  	[hbm4b:s15+s28] =	stream.strided.scatter [tilespmem:s23], [sflag:$0x5], $0x4000, s29, s28, $0x38;
	[tilespmem:$0x1B200] =	vst v63  }
0xdc: {  	_ = 	snop  }
0xdd: {  	[hbm4b:s16+s28] =	stream.strided.scatter [tilespmem:s25], [sflag:$0x5], $0x4000, s29, s28, $0x38;
	[tilespmem:$0x1B200] =	vst v63  }
0xde: {  	_ =	swait.ge [sflag:s30], $0x4000  }
0xdf: {  	[sflag:s30] =	ssyncset.done $0x0  }
0xe0: {  	[sflag:s30] =	ssyncadd.s32 $0xFFFFC000  }
0xe1: {  	_ =	swait.ge [sflag:s30], $0x4000  }
0xe2: {  	[sflag:s30] =	ssyncset.done $0x0  }
0xe3: {  	s8 =	sadd.s32 $0x1, s8;
	[sflag:s30] =	ssyncadd.s32 $0xFFFFC000  }
0xe4: {  	p0 =	sne.s32 s8, s17;
	_ =	swait.ge [sflag:s6], $0x4000  }
.Ltmp1:
0xe5: {  	[sflag:s6] =	ssyncset.done $0x0;
	(pc) =	sbr.rel @p0 .LBB2_1-.Ltmp1, $4  }
0xe6: {  	[sflag:s6] =	ssyncadd.s32 $0xFFFFC000  }
0xe7: {  	_ =	swait.ge [sflag:s6], $0x4000  }
0xe8: {  	[sflag:s6] =	ssyncset.done $0x0  }
0xe9: {  	[sflag:s6] =	ssyncadd.s32 $0xFFFFC000  }
0xea: {  	_ =	sfence.sel $0x180000  }
0xeb: {  	[bflag:$0x0] =	sbarrier.arrive $0xFFFF  }
0xec: {  	_ =	strace $0x90000047  }
0xed: {  	s0 =	stileid.u32;
	[bflag:$0x2] =	sbarrier.arrive $0xFFFF  }
0xee: {  	p0 =	sne.s32 s0, $0x0;
	s0 =	rddreg [dreg:$0x4]  }
0xef: {  	s0 =	sadd.s32 @!p0 $0x100000, s0  }
0xf0: {  	[sflag:s0] =	ssyncadd.tile.s32 @!p0 $0x1;
	_ =	shalt  }
.Lfunc_end2:
_tile_overlayer_lowered:
.L_overlay_start_2:
0xf1: {  	(tag) =	ssettag $0x2  }
0xf2: {  	s0 =	rddreg [dreg:$0x0];
	s2 =	stileid.u32  }
0xf3: {  	s1 =	rddreg [dreg:$0x1];
	p0 =	sne.s32 s2, $0x0  }
0xf4: {  	s3 =	rddreg [dreg:$0x2];
	[bflag:$0x3] =	sbarrier.arrive $0xFFFF;
	s2 =	simm.s32 @!p0 $0x1C07  }
0xf5: {  	[timem:s3], [sflag:s2] =	dma.local @!p0 [hbm:s0], s1  }
0xf6: {  	s0 =	simm.s32 @!p0 $0x7  }
0xf7: {  	_ =	swait.ge @!p0 [sflag:s0], s1  }
0xf8: {  	s1 =	ssub.s32 @!p0 $0x0, s1;
	[sflag:s0] =	ssyncset.done @!p0 $0x0  }
0xf9: {  	[sflag:s0] =	ssyncadd.s32 @!p0 s1  }
0xfa: {  	[bflag:$0x3] =	sbarrier.arrive $0xFFFF  }
0xfb: {  	_ =	shalt  }

</sc_bundles>
